<compile_context>
chip_gen: v7x
topology: tpu7x:2x2x1
jax: 0.10.2.dev20260603
libtpu: 0.0.44.dev20260713+nightly
codegen_flags: <defaults>
</compile_context>

<pallas_src>
import functools

import jax
import jax.numpy as jnp
from jax import lax
from jax.experimental import pallas as pl
from jax.experimental.pallas import tpu as pltpu
from jax.experimental.pallas import tpu_sc as plsc

N = 10000
E = 320000
BN = 1024
EB = 32768
D = 128
DEPTH = 2

NW = 32
NSUB = 16
CH = 79
CHB = 8
NACC = 10112
ZROWS = 632
DUMP = 10008


def _sc_body(h_hbm, srcc, dstc, bcolc, browc, zeros_hbm, part_nv, part_s,
             acc, acc_s, idx_src, idx_dst, idx_bc, idx_br, rows, sem):
    c = lax.axis_index("c")
    s = lax.axis_index("s")
    w = c * NSUB + s

    pltpu.sync_copy(srcc.at[w], idx_src)
    pltpu.sync_copy(dstc.at[w], idx_dst)
    pltpu.sync_copy(bcolc.at[w], idx_bc)
    pltpu.sync_copy(browc.at[w], idx_br)

    pltpu.sync_copy(zeros_hbm, acc.at[pl.ds(s * ZROWS, ZROWS)])
    pltpu.sync_copy(zeros_hbm.at[pl.ds(0, BN // NSUB)],
                    acc_s.at[pl.ds(s * (BN // NSUB), BN // NSUB)])
    plsc.subcore_barrier()

    def nn_step(j, carry):
        pltpu.async_copy(h_hbm.at[idx_src.at[j]], rows, sem).wait()
        pltpu.sync_copy(rows, acc.at[idx_dst.at[j]], add=True)
        return carry

    lax.fori_loop(0, CH, nn_step, 0)

    def b_step(j, carry):
        pltpu.async_copy(h_hbm.at[idx_bc.at[j]], rows, sem).wait()
        pltpu.sync_copy(rows, acc_s.at[idx_br.at[j]], add=True)
        return carry

    lax.fori_loop(0, CHB, b_step, 0)
    plsc.subcore_barrier()

    pltpu.sync_copy(acc.at[pl.ds(s * ZROWS, ZROWS)],
                    part_nv.at[c, pl.ds(s * ZROWS, ZROWS)])
    pltpu.sync_copy(acc_s.at[pl.ds(s * (BN // NSUB), BN // NSUB)],
                    part_s.at[c, pl.ds(s * (BN // NSUB), BN // NSUB)])


@functools.cache
def _sc_segsum():
    return pl.kernel(
        _sc_body,
        mesh=plsc.VectorSubcoreMesh(core_axis_name="c", subcore_axis_name="s"),
        out_type=[
            jax.ShapeDtypeStruct((2, NACC, D), jnp.float32),
            jax.ShapeDtypeStruct((2, BN, D), jnp.float32),
        ],
        scratch_types=[
            pltpu.VMEM_SHARED((NACC, D), jnp.float32),
            pltpu.VMEM_SHARED((BN, D), jnp.float32),
            pltpu.VMEM((CH, 128), jnp.int32),
            pltpu.VMEM((CH, 128), jnp.int32),
            pltpu.VMEM((CHB, 128), jnp.int32),
            pltpu.VMEM((CHB, 128), jnp.int32),
            pltpu.VMEM((128, D), jnp.float32),
            pltpu.SemaphoreType.DMA,
        ],
    )


def _normalize(x):
    n = jnp.sqrt(jnp.sum(x * x, axis=1, keepdims=True))
    return x / jnp.maximum(n, 1e-12)


def _init_body(x_ref, xs_ref, w1_ref, h_ref, hs_ref):
    w1 = w1_ref[...]
    h = jnp.maximum(jnp.dot(x_ref[...], w1, preferred_element_type=jnp.float32), 0.0)
    h_ref[...] = _normalize(h)
    hs = jnp.maximum(jnp.dot(xs_ref[...], w1, preferred_element_type=jnp.float32), 0.0)
    hs_ref[...] = _normalize(hs)


def _dense(h, hn, w2, w3, la, lb, bias):
    z = lax.dot_general(jnp.dot(h, w2, preferred_element_type=jnp.float32), la,
                        (((1,), (1,)), ((), ())), preferred_element_type=jnp.float32)
    z = z + lax.dot_general(jnp.dot(hn, w3, preferred_element_type=jnp.float32), lb,
                            (((1,), (1,)), ((), ())), preferred_element_type=jnp.float32)
    return _normalize(jnp.maximum(z + bias, 0.0))


def _layer_node_body(h_ref, pn_ref, w2_ref, w3_ref, la_ref, lb_ref, b_ref, ho_ref):
    hn = pn_ref[0] + pn_ref[1]
    ho_ref[...] = _dense(h_ref[...], hn, w2_ref[...], w3_ref[...],
                         la_ref[...], lb_ref[...], b_ref[...])


def _layer_batch_body(hs_ref, ps_ref, w2_ref, w3_ref, la_ref, lb_ref, b_ref, hso_ref):
    hn = ps_ref[0] + ps_ref[1]
    hso_ref[...] = _dense(hs_ref[...], hn, w2_ref[...], w3_ref[...],
                          la_ref[...], lb_ref[...], b_ref[...])


_BLK = 1000

_tc_init = pl.pallas_call(
    _init_body,
    out_shape=[jax.ShapeDtypeStruct((N, D), jnp.float32),
               jax.ShapeDtypeStruct((BN, D), jnp.float32)],
)

_w_spec = pl.BlockSpec((D, D), lambda i: (0, 0))
_b_spec = pl.BlockSpec((1, D), lambda i: (0, 0))

_tc_layer_node = pl.pallas_call(
    _layer_node_body,
    grid=(N // _BLK,),
    in_specs=[
        pl.BlockSpec((_BLK, D), lambda i: (i, 0)),
        pl.BlockSpec((2, _BLK, D), lambda i: (0, i, 0)),
        _w_spec, _w_spec, _w_spec, _w_spec, _b_spec,
    ],
    out_specs=pl.BlockSpec((_BLK, D), lambda i: (i, 0)),
    out_shape=jax.ShapeDtypeStruct((N, D), jnp.float32),
)

_tc_layer_batch = pl.pallas_call(
    _layer_batch_body,
    out_shape=jax.ShapeDtypeStruct((BN, D), jnp.float32),
)


def kernel(node_node_edge_index, batch_rows, batch_cols, input_features,
           input_feature_s, W_1, W_2, W_3, lin_w, lin_b):
    dst = node_node_edge_index[0].astype(jnp.int32)
    src = node_node_edge_index[1].astype(jnp.int32)
    brows = batch_rows.astype(jnp.int32)
    bcols = batch_cols.astype(jnp.int32)

    pad = NW * CH * 128 - E
    srcc = jnp.concatenate([src, jnp.zeros((pad,), jnp.int32)]).reshape(NW, CH, 128)
    dstc = jnp.concatenate([dst, jnp.full((pad,), DUMP, jnp.int32)]).reshape(NW, CH, 128)
    bcolc = bcols.reshape(NW, CHB, 128)
    browc = brows.reshape(NW, CHB, 128)

    zeros_hbm = jnp.zeros((ZROWS, D), jnp.float32)
    lin_a = lin_w[:, :D]
    lin_bm = lin_w[:, D:]
    bias = lin_b.reshape(1, D)

    h, hs = _tc_init(input_features, input_feature_s, W_1)
    for _ in range(DEPTH):
        part_nv, part_s = _sc_segsum()(h, srcc, dstc, bcolc, browc, zeros_hbm)
        h = _tc_layer_node(h, part_nv[:, :N], W_2, W_3, lin_a, lin_bm, bias)
        hs = _tc_layer_batch(hs, part_s, W_2, W_3, lin_a, lin_bm, bias)
    return (h, hs)

# --- scband reference (transcript-rebuilt; emitter-appended) ---
"""Pipeline reference for scband-encoding-43404939493633 (READ-ONLY COPY).

The authoritative reference and input builder live on the scoring server;
editing this copy changes nothing except your own understanding.
"""

import jax, jax.numpy as jnp
import numpy as np

N = 10000
E = 320000
B = 1024
EB = 32768
D_IN = 128
D_EMB = 128
DEPTH = 2


def setup_inputs(seed: int = 0) -> dict:
    key = jax.random.key(seed)
    ks = jax.random.split(key, 10)
    node_node_edge_index = jax.random.randint(ks[0], (2, E), 0, N, dtype=jnp.int64) if jax.config.read('jax_enable_x64') else jax.random.randint(ks[0], (2, E), 0, N).astype(jnp.int32)
    batch_rows = jax.random.randint(ks[1], (EB,), 0, B)
    batch_cols = jax.random.randint(ks[2], (EB,), 0, N)
    input_features = jax.random.normal(ks[3], (N, D_IN), dtype=jnp.float32)
    input_feature_s = jax.random.normal(ks[4], (B, D_IN), dtype=jnp.float32)
    W_1 = jax.random.normal(ks[5], (D_IN, D_EMB), dtype=jnp.float32) * 0.05
    W_2 = jax.random.normal(ks[6], (D_EMB, D_EMB), dtype=jnp.float32) * 0.05
    W_3 = jax.random.normal(ks[7], (D_EMB, D_EMB), dtype=jnp.float32) * 0.05
    lin_w = jax.random.normal(ks[8], (D_EMB, 2 * D_EMB), dtype=jnp.float32) * 0.05
    lin_b = jnp.zeros((D_EMB,), dtype=jnp.float32)
    return {
        'node_node_edge_index': node_node_edge_index,
        'batch_rows': batch_rows,
        'batch_cols': batch_cols,
        'input_features': input_features,
        'input_feature_s': input_feature_s,
        'W_1': W_1,
        'W_2': W_2,
        'W_3': W_3,
        'lin_w': lin_w,
        'lin_b': lin_b,
    }


def _normalize(x, eps=1e-12):
    # torch.nn.functional.normalize(p=2, dim=1)
    n = jnp.sqrt(jnp.sum(x * x, axis=1, keepdims=True))
    return x / jnp.maximum(n, eps)


def reference(node_node_edge_index, batch_rows, batch_cols, input_features,
              input_feature_s, W_1, W_2, W_3, lin_w, lin_b):
    dst = node_node_edge_index[0]
    src = node_node_edge_index[1]

    h = jax.nn.relu(input_features @ W_1)
    hs = jax.nn.relu(input_feature_s @ W_1)
    h = _normalize(h)
    hs = _normalize(hs)

    for _ in range(DEPTH):
        # sparse.mm(node_node, h): gather src rows, scatter-add into dst rows
        h_nv = jax.ops.segment_sum(h[src], dst, num_segments=N)
        # sparse.mm(batch_node, h): gather node rows, scatter-add into batch rows
        h_nv_s = jax.ops.segment_sum(h[batch_cols], batch_rows, num_segments=B)
        h_new = jax.nn.relu(jnp.concatenate([h @ W_2, h_nv @ W_3], axis=1) @ lin_w.T + lin_b)
        hs_new = jax.nn.relu(jnp.concatenate([hs @ W_2, h_nv_s @ W_3], axis=1) @ lin_w.T + lin_b)
        h = _normalize(h_new)
        hs = _normalize(hs_new)

    return (h, hs)

if __name__ == "__main__":
    import jax
    _d = setup_inputs()
    print(jax.jit(kernel)(*tuple(_d.values())))

</pallas_src>

<mosaic_0001>
#map = affine_map<(d0, d1) -> (0, 0)>
#map1 = affine_map<(d0, d1) -> (0, 0, 0)>
module attributes {stable_mosaic.version = 14 : i64} {
  func.func @_sc_body(%arg0: i32, %arg1: i32, %arg2: memref<10000x128xf32, #tpu.memory_space<hbm>>, %arg3: memref<32x79x128xi32, #tpu.memory_space<hbm>>, %arg4: memref<32x79x128xi32, #tpu.memory_space<hbm>>, %arg5: memref<32x8x128xi32, #tpu.memory_space<hbm>>, %arg6: memref<32x8x128xi32, #tpu.memory_space<hbm>>, %arg7: memref<632x128xf32, #tpu.memory_space<hbm>>, %arg8: memref<2x10112x128xf32, #tpu.memory_space<hbm>>, %arg9: memref<2x1024x128xf32, #tpu.memory_space<hbm>>, %arg10: memref<10112x128xf32, #tpu.memory_space<vmem_shared>>, %arg11: memref<1024x128xf32, #tpu.memory_space<vmem_shared>>, %arg12: memref<79x128xi32, #tpu.memory_space<vmem>>, %arg13: memref<79x128xi32, #tpu.memory_space<vmem>>, %arg14: memref<8x128xi32, #tpu.memory_space<vmem>>, %arg15: memref<8x128xi32, #tpu.memory_space<vmem>>, %arg16: memref<128x128xf32, #tpu.memory_space<vmem>>, %arg17: memref<!tpu.dma_semaphore, #tpu.memory_space<semaphore_mem>>) attributes {dimension_semantics = [#tpu.dimension_semantics<core_parallel>, #tpu.dimension_semantics<subcore_parallel>], iteration_bounds = array<i64: 2, 16>, scalar_prefetch = 0 : i64, scratch_operands = 8 : i64, tpu.core_type = #tpu.core_type<sc_vector_subcore>, window_params = [{transform_indices = #map}, {transform_indices = #map1}, {transform_indices = #map1}, {transform_indices = #map1}, {transform_indices = #map1}, {transform_indices = #map}, {transform_indices = #map1}, {transform_indices = #map1}]} {
    %mul3A = arith.constant 16 : i32
    %mul3A_0 = arith.muli %arg0, %mul3A : i32
    %add3A = arith.addi %mul3A_0, %arg1 : i32
    "tpu.region"() ({
      %run_scoped3A = tpu.sem_alloc : memref<!tpu.dma_semaphore, #tpu.memory_space<semaphore_mem>>
      %dma_start3A = arith.constant 0 : i32
      %dma_start3A_25 = arith.constant 0 : i32
      %dma_start3A_26 = tpu.memref_slice %arg3[%add3A, %dma_start3A, %dma_start3A_25] : memref<32x79x128xi32, #tpu.memory_space<hbm>> -> memref<1x79x128xi32, #tpu.memory_space<hbm>>
      %dma_start3A_27 = tpu.memref_squeeze %dma_start3A_26 : memref<1x79x128xi32, #tpu.memory_space<hbm>> -> memref<79x128xi32, #tpu.memory_space<hbm>>
      %dma_start3A_28 = arith.constant 0 : i32
      %dma_start3A_29 = arith.constant 0 : i32
      %dma_start3A_30 = tpu.memref_slice %arg3[%add3A, %dma_start3A_28, %dma_start3A_29] : memref<32x79x128xi32, #tpu.memory_space<hbm>> -> memref<1x79x128xi32, #tpu.memory_space<hbm>>
      %dma_start3A_31 = tpu.memref_squeeze %dma_start3A_30 : memref<1x79x128xi32, #tpu.memory_space<hbm>> -> memref<79x128xi32, #tpu.memory_space<hbm>>
      tpu.enqueue_dma source(%dma_start3A_31 : memref<79x128xi32, #tpu.memory_space<hbm>>) target(%arg12 : memref<79x128xi32, #tpu.memory_space<vmem>>) target_semaphore(%run_scoped3A : memref<!tpu.dma_semaphore, #tpu.memory_space<semaphore_mem>>)
      %dma_wait3A = arith.constant 0 : i32
      %dma_wait3A_32 = arith.constant 0 : i32
      %dma_wait3A_33 = tpu.memref_slice %arg3[%add3A, %dma_wait3A, %dma_wait3A_32] : memref<32x79x128xi32, #tpu.memory_space<hbm>> -> memref<1x79x128xi32, #tpu.memory_space<hbm>>
      %dma_wait3A_34 = tpu.memref_squeeze %dma_wait3A_33 : memref<1x79x128xi32, #tpu.memory_space<hbm>> -> memref<79x128xi32, #tpu.memory_space<hbm>>
      %dma_wait3A_35 = arith.constant 0 : i32
      %dma_wait3A_36 = arith.constant 0 : i32
      %dma_wait3A_37 = tpu.memref_slice %arg3[%add3A, %dma_wait3A_35, %dma_wait3A_36] : memref<32x79x128xi32, #tpu.memory_space<hbm>> -> memref<1x79x128xi32, #tpu.memory_space<hbm>>
      %dma_wait3A_38 = tpu.memref_squeeze %dma_wait3A_37 : memref<1x79x128xi32, #tpu.memory_space<hbm>> -> memref<79x128xi32, #tpu.memory_space<hbm>>
      tpu.wait_dma2 semaphore(%run_scoped3A : memref<!tpu.dma_semaphore, #tpu.memory_space<semaphore_mem>>) src(%dma_wait3A_38 : memref<79x128xi32, #tpu.memory_space<hbm>>) dst(%arg12 : memref<79x128xi32, #tpu.memory_space<vmem>>)
      tpu.yield
    }) : () -> ()
    "tpu.region"() ({
      %run_scoped3A = tpu.sem_alloc : memref<!tpu.dma_semaphore, #tpu.memory_space<semaphore_mem>>
      %dma_start3A = arith.constant 0 : i32
      %dma_start3A_25 = arith.constant 0 : i32
      %dma_start3A_26 = tpu.memref_slice %arg4[%add3A, %dma_start3A, %dma_start3A_25] : memref<32x79x128xi32, #tpu.memory_space<hbm>> -> memref<1x79x128xi32, #tpu.memory_space<hbm>>
      %dma_start3A_27 = tpu.memref_squeeze %dma_start3A_26 : memref<1x79x128xi32, #tpu.memory_space<hbm>> -> memref<79x128xi32, #tpu.memory_space<hbm>>
      %dma_start3A_28 = arith.constant 0 : i32
      %dma_start3A_29 = arith.constant 0 : i32
      %dma_start3A_30 = tpu.memref_slice %arg4[%add3A, %dma_start3A_28, %dma_start3A_29] : memref<32x79x128xi32, #tpu.memory_space<hbm>> -> memref<1x79x128xi32, #tpu.memory_space<hbm>>
      %dma_start3A_31 = tpu.memref_squeeze %dma_start3A_30 : memref<1x79x128xi32, #tpu.memory_space<hbm>> -> memref<79x128xi32, #tpu.memory_space<hbm>>
      tpu.enqueue_dma source(%dma_start3A_31 : memref<79x128xi32, #tpu.memory_space<hbm>>) target(%arg13 : memref<79x128xi32, #tpu.memory_space<vmem>>) target_semaphore(%run_scoped3A : memref<!tpu.dma_semaphore, #tpu.memory_space<semaphore_mem>>)
      %dma_wait3A = arith.constant 0 : i32
      %dma_wait3A_32 = arith.constant 0 : i32
      %dma_wait3A_33 = tpu.memref_slice %arg4[%add3A, %dma_wait3A, %dma_wait3A_32] : memref<32x79x128xi32, #tpu.memory_space<hbm>> -> memref<1x79x128xi32, #tpu.memory_space<hbm>>
      %dma_wait3A_34 = tpu.memref_squeeze %dma_wait3A_33 : memref<1x79x128xi32, #tpu.memory_space<hbm>> -> memref<79x128xi32, #tpu.memory_space<hbm>>
      %dma_wait3A_35 = arith.constant 0 : i32
      %dma_wait3A_36 = arith.constant 0 : i32
      %dma_wait3A_37 = tpu.memref_slice %arg4[%add3A, %dma_wait3A_35, %dma_wait3A_36] : memref<32x79x128xi32, #tpu.memory_space<hbm>> -> memref<1x79x128xi32, #tpu.memory_space<hbm>>
      %dma_wait3A_38 = tpu.memref_squeeze %dma_wait3A_37 : memref<1x79x128xi32, #tpu.memory_space<hbm>> -> memref<79x128xi32, #tpu.memory_space<hbm>>
      tpu.wait_dma2 semaphore(%run_scoped3A : memref<!tpu.dma_semaphore, #tpu.memory_space<semaphore_mem>>) src(%dma_wait3A_38 : memref<79x128xi32, #tpu.memory_space<hbm>>) dst(%arg13 : memref<79x128xi32, #tpu.memory_space<vmem>>)
      tpu.yield
    }) : () -> ()
    "tpu.region"() ({
      %run_scoped3A = tpu.sem_alloc : memref<!tpu.dma_semaphore, #tpu.memory_space<semaphore_mem>>
      %dma_start3A = arith.constant 0 : i32
      %dma_start3A_25 = arith.constant 0 : i32
      %dma_start3A_26 = tpu.memref_slice %arg5[%add3A, %dma_start3A, %dma_start3A_25] : memref<32x8x128xi32, #tpu.memory_space<hbm>> -> memref<1x8x128xi32, #tpu.memory_space<hbm>>
      %dma_start3A_27 = tpu.memref_squeeze %dma_start3A_26 : memref<1x8x128xi32, #tpu.memory_space<hbm>> -> memref<8x128xi32, #tpu.memory_space<hbm>>
      %dma_start3A_28 = arith.constant 0 : i32
      %dma_start3A_29 = arith.constant 0 : i32
      %dma_start3A_30 = tpu.memref_slice %arg5[%add3A, %dma_start3A_28, %dma_start3A_29] : memref<32x8x128xi32, #tpu.memory_space<hbm>> -> memref<1x8x128xi32, #tpu.memory_space<hbm>>
      %dma_start3A_31 = tpu.memref_squeeze %dma_start3A_30 : memref<1x8x128xi32, #tpu.memory_space<hbm>> -> memref<8x128xi32, #tpu.memory_space<hbm>>
      tpu.enqueue_dma source(%dma_start3A_31 : memref<8x128xi32, #tpu.memory_space<hbm>>) target(%arg14 : memref<8x128xi32, #tpu.memory_space<vmem>>) target_semaphore(%run_scoped3A : memref<!tpu.dma_semaphore, #tpu.memory_space<semaphore_mem>>)
      %dma_wait3A = arith.constant 0 : i32
      %dma_wait3A_32 = arith.constant 0 : i32
      %dma_wait3A_33 = tpu.memref_slice %arg5[%add3A, %dma_wait3A, %dma_wait3A_32] : memref<32x8x128xi32, #tpu.memory_space<hbm>> -> memref<1x8x128xi32, #tpu.memory_space<hbm>>
      %dma_wait3A_34 = tpu.memref_squeeze %dma_wait3A_33 : memref<1x8x128xi32, #tpu.memory_space<hbm>> -> memref<8x128xi32, #tpu.memory_space<hbm>>
      %dma_wait3A_35 = arith.constant 0 : i32
      %dma_wait3A_36 = arith.constant 0 : i32
      %dma_wait3A_37 = tpu.memref_slice %arg5[%add3A, %dma_wait3A_35, %dma_wait3A_36] : memref<32x8x128xi32, #tpu.memory_space<hbm>> -> memref<1x8x128xi32, #tpu.memory_space<hbm>>
      %dma_wait3A_38 = tpu.memref_squeeze %dma_wait3A_37 : memref<1x8x128xi32, #tpu.memory_space<hbm>> -> memref<8x128xi32, #tpu.memory_space<hbm>>
      tpu.wait_dma2 semaphore(%run_scoped3A : memref<!tpu.dma_semaphore, #tpu.memory_space<semaphore_mem>>) src(%dma_wait3A_38 : memref<8x128xi32, #tpu.memory_space<hbm>>) dst(%arg14 : memref<8x128xi32, #tpu.memory_space<vmem>>)
      tpu.yield
    }) : () -> ()
    "tpu.region"() ({
      %run_scoped3A = tpu.sem_alloc : memref<!tpu.dma_semaphore, #tpu.memory_space<semaphore_mem>>
      %dma_start3A = arith.constant 0 : i32
      %dma_start3A_25 = arith.constant 0 : i32
      %dma_start3A_26 = tpu.memref_slice %arg6[%add3A, %dma_start3A, %dma_start3A_25] : memref<32x8x128xi32, #tpu.memory_space<hbm>> -> memref<1x8x128xi32, #tpu.memory_space<hbm>>
      %dma_start3A_27 = tpu.memref_squeeze %dma_start3A_26 : memref<1x8x128xi32, #tpu.memory_space<hbm>> -> memref<8x128xi32, #tpu.memory_space<hbm>>
      %dma_start3A_28 = arith.constant 0 : i32
      %dma_start3A_29 = arith.constant 0 : i32
      %dma_start3A_30 = tpu.memref_slice %arg6[%add3A, %dma_start3A_28, %dma_start3A_29] : memref<32x8x128xi32, #tpu.memory_space<hbm>> -> memref<1x8x128xi32, #tpu.memory_space<hbm>>
      %dma_start3A_31 = tpu.memref_squeeze %dma_start3A_30 : memref<1x8x128xi32, #tpu.memory_space<hbm>> -> memref<8x128xi32, #tpu.memory_space<hbm>>
      tpu.enqueue_dma source(%dma_start3A_31 : memref<8x128xi32, #tpu.memory_space<hbm>>) target(%arg15 : memref<8x128xi32, #tpu.memory_space<vmem>>) target_semaphore(%run_scoped3A : memref<!tpu.dma_semaphore, #tpu.memory_space<semaphore_mem>>)
      %dma_wait3A = arith.constant 0 : i32
      %dma_wait3A_32 = arith.constant 0 : i32
      %dma_wait3A_33 = tpu.memref_slice %arg6[%add3A, %dma_wait3A, %dma_wait3A_32] : memref<32x8x128xi32, #tpu.memory_space<hbm>> -> memref<1x8x128xi32, #tpu.memory_space<hbm>>
      %dma_wait3A_34 = tpu.memref_squeeze %dma_wait3A_33 : memref<1x8x128xi32, #tpu.memory_space<hbm>> -> memref<8x128xi32, #tpu.memory_space<hbm>>
      %dma_wait3A_35 = arith.constant 0 : i32
      %dma_wait3A_36 = arith.constant 0 : i32
      %dma_wait3A_37 = tpu.memref_slice %arg6[%add3A, %dma_wait3A_35, %dma_wait3A_36] : memref<32x8x128xi32, #tpu.memory_space<hbm>> -> memref<1x8x128xi32, #tpu.memory_space<hbm>>
      %dma_wait3A_38 = tpu.memref_squeeze %dma_wait3A_37 : memref<1x8x128xi32, #tpu.memory_space<hbm>> -> memref<8x128xi32, #tpu.memory_space<hbm>>
      tpu.wait_dma2 semaphore(%run_scoped3A : memref<!tpu.dma_semaphore, #tpu.memory_space<semaphore_mem>>) src(%dma_wait3A_38 : memref<8x128xi32, #tpu.memory_space<hbm>>) dst(%arg15 : memref<8x128xi32, #tpu.memory_space<vmem>>)
      tpu.yield
    }) : () -> ()
    %mul3A_1 = arith.constant 632 : i32
    %mul3A_2 = arith.muli %arg1, %mul3A_1 : i32
    "tpu.region"() ({
      %run_scoped3A = tpu.sem_alloc : memref<!tpu.dma_semaphore, #tpu.memory_space<semaphore_mem>>
      %dma_start3A = arith.constant 0 : i32
      %dma_start3A_25 = tpu.memref_slice %arg10[%mul3A_2, %dma_start3A] : memref<10112x128xf32, #tpu.memory_space<vmem_shared>> -> memref<632x128xf32, #tpu.memory_space<vmem_shared>>
      tpu.enqueue_dma source(%arg7 : memref<632x128xf32, #tpu.memory_space<hbm>>) target(%dma_start3A_25 : memref<632x128xf32, #tpu.memory_space<vmem_shared>>) target_semaphore(%run_scoped3A : memref<!tpu.dma_semaphore, #tpu.memory_space<semaphore_mem>>)
      %dma_wait3A = arith.constant 0 : i32
      %dma_wait3A_26 = tpu.memref_slice %arg10[%mul3A_2, %dma_wait3A] : memref<10112x128xf32, #tpu.memory_space<vmem_shared>> -> memref<632x128xf32, #tpu.memory_space<vmem_shared>>
      tpu.wait_dma2 semaphore(%run_scoped3A : memref<!tpu.dma_semaphore, #tpu.memory_space<semaphore_mem>>) src(%arg7 : memref<632x128xf32, #tpu.memory_space<hbm>>) dst(%dma_wait3A_26 : memref<632x128xf32, #tpu.memory_space<vmem_shared>>)
      tpu.yield
    }) : () -> ()
    %mul3A_3 = arith.constant 64 : i32
    %mul3A_4 = arith.muli %arg1, %mul3A_3 : i32
    "tpu.region"() ({
      %run_scoped3A = tpu.sem_alloc : memref<!tpu.dma_semaphore, #tpu.memory_space<semaphore_mem>>
      %dma_start3A = arith.constant 0 : i32
      %dma_start3A_25 = tpu.memref_slice %arg11[%mul3A_4, %dma_start3A] : memref<1024x128xf32, #tpu.memory_space<vmem_shared>> -> memref<64x128xf32, #tpu.memory_space<vmem_shared>>
      %dma_start3A_26 = arith.constant 0 : i32
      %dma_start3A_27 = arith.constant 0 : i32
      %dma_start3A_28 = tpu.memref_slice %arg7[%dma_start3A_26, %dma_start3A_27] : memref<632x128xf32, #tpu.memory_space<hbm>> -> memref<64x128xf32, #tpu.memory_space<hbm>>
      tpu.enqueue_dma source(%dma_start3A_28 : memref<64x128xf32, #tpu.memory_space<hbm>>) target(%dma_start3A_25 : memref<64x128xf32, #tpu.memory_space<vmem_shared>>) target_semaphore(%run_scoped3A : memref<!tpu.dma_semaphore, #tpu.memory_space<semaphore_mem>>)
      %dma_wait3A = arith.constant 0 : i32
      %dma_wait3A_29 = tpu.memref_slice %arg11[%mul3A_4, %dma_wait3A] : memref<1024x128xf32, #tpu.memory_space<vmem_shared>> -> memref<64x128xf32, #tpu.memory_space<vmem_shared>>
      %dma_wait3A_30 = arith.constant 0 : i32
      %dma_wait3A_31 = arith.constant 0 : i32
      %dma_wait3A_32 = tpu.memref_slice %arg7[%dma_wait3A_30, %dma_wait3A_31] : memref<632x128xf32, #tpu.memory_space<hbm>> -> memref<64x128xf32, #tpu.memory_space<hbm>>
      tpu.wait_dma2 semaphore(%run_scoped3A : memref<!tpu.dma_semaphore, #tpu.memory_space<semaphore_mem>>) src(%dma_wait3A_32 : memref<64x128xf32, #tpu.memory_space<hbm>>) dst(%dma_wait3A_29 : memref<64x128xf32, #tpu.memory_space<vmem_shared>>)
      tpu.yield
    }) : () -> ()
    %barrier3A = arith.constant 0 : index
    tpu.barrier barrier_id(%barrier3A)
    %scan3A = arith.constant 0 : i32
    %scan3A_5 = arith.constant 0 : i32
    %scan3A_6 = arith.constant 79 : i32
    %scan3A_7 = arith.addi %scan3A_5, %scan3A_6 : i32
    %scan3A_8 = arith.constant 1 : i32
    scf.for %scan3A_25 = %scan3A_5 to %scan3A_7 step %scan3A_8  : i32 {
      %dma_start3A = arith.constant 0 : i32
      %dma_start3A_26 = tpu.memref_slice %arg12[%scan3A_25, %dma_start3A] : memref<79x128xi32, #tpu.memory_space<vmem>> -> memref<1x128xi32, #tpu.memory_space<vmem>>
      %dma_start3A_27 = tpu.memref_squeeze %dma_start3A_26 : memref<1x128xi32, #tpu.memory_space<vmem>> -> memref<128xi32, #tpu.memory_space<vmem>>
      %dma_start3A_28 = arith.constant 0 : i32
      %dma_start3A_29 = arith.constant 0 : i32
      %dma_start3A_30 = tpu.memref_slice %arg2[%dma_start3A_28, %dma_start3A_29] : memref<10000x128xf32, #tpu.memory_space<hbm>> -> memref<10000x128xf32, #tpu.memory_space<hbm>>
      tpu.enqueue_indirect_dma source(%dma_start3A_30 : memref<10000x128xf32, #tpu.memory_space<hbm>>) target(%arg16 : memref<128x128xf32, #tpu.memory_space<vmem>>) offsets(%dma_start3A_27 : memref<128xi32, #tpu.memory_space<vmem>>) semaphore(%arg17 : memref<!tpu.dma_semaphore, #tpu.memory_space<semaphore_mem>>)
      %dma_wait3A = arith.constant 0 : i32
      %dma_wait3A_31 = tpu.memref_slice %arg12[%scan3A_25, %dma_wait3A] : memref<79x128xi32, #tpu.memory_space<vmem>> -> memref<1x128xi32, #tpu.memory_space<vmem>>
      %dma_wait3A_32 = tpu.memref_squeeze %dma_wait3A_31 : memref<1x128xi32, #tpu.memory_space<vmem>> -> memref<128xi32, #tpu.memory_space<vmem>>
      %dma_wait3A_33 = arith.constant 0 : i32
      %dma_wait3A_34 = arith.constant 0 : i32
      %dma_wait3A_35 = tpu.memref_slice %arg2[%dma_wait3A_33, %dma_wait3A_34] : memref<10000x128xf32, #tpu.memory_space<hbm>> -> memref<10000x128xf32, #tpu.memory_space<hbm>>
      tpu.wait_indirect_dma semaphore(%arg17 : memref<!tpu.dma_semaphore, #tpu.memory_space<semaphore_mem>>) src(%dma_wait3A_35 : memref<10000x128xf32, #tpu.memory_space<hbm>>) dst(%arg16 : memref<128x128xf32, #tpu.memory_space<vmem>>)
      "tpu.region"() ({
        %run_scoped3A = tpu.sem_alloc : memref<!tpu.dma_semaphore, #tpu.memory_space<semaphore_mem>>
        %dma_start3A_36 = arith.constant 0 : i32
        %dma_start3A_37 = tpu.memref_slice %arg13[%scan3A_25, %dma_start3A_36] : memref<79x128xi32, #tpu.memory_space<vmem>> -> memref<1x128xi32, #tpu.memory_space<vmem>>
        %dma_start3A_38 = tpu.memref_squeeze %dma_start3A_37 : memref<1x128xi32, #tpu.memory_space<vmem>> -> memref<128xi32, #tpu.memory_space<vmem>>
        %dma_start3A_39 = arith.constant 0 : i32
        %dma_start3A_40 = arith.constant 0 : i32
        %dma_start3A_41 = tpu.memref_slice %arg10[%dma_start3A_39, %dma_start3A_40] : memref<10112x128xf32, #tpu.memory_space<vmem_shared>> -> memref<10112x128xf32, #tpu.memory_space<vmem_shared>>
        tpu.enqueue_indirect_dma source(%arg16 : memref<128x128xf32, #tpu.memory_space<vmem>>) target(%dma_start3A_41 : memref<10112x128xf32, #tpu.memory_space<vmem_shared>>) offsets(%dma_start3A_38 : memref<128xi32, #tpu.memory_space<vmem>>) semaphore(%run_scoped3A : memref<!tpu.dma_semaphore, #tpu.memory_space<semaphore_mem>>) {add = true}
        %dma_wait3A_42 = arith.constant 0 : i32
        %dma_wait3A_43 = tpu.memref_slice %arg13[%scan3A_25, %dma_wait3A_42] : memref<79x128xi32, #tpu.memory_space<vmem>> -> memref<1x128xi32, #tpu.memory_space<vmem>>
        %dma_wait3A_44 = tpu.memref_squeeze %dma_wait3A_43 : memref<1x128xi32, #tpu.memory_space<vmem>> -> memref<128xi32, #tpu.memory_space<vmem>>
        %dma_wait3A_45 = arith.constant 0 : i32
        %dma_wait3A_46 = arith.constant 0 : i32
        %dma_wait3A_47 = tpu.memref_slice %arg10[%dma_wait3A_45, %dma_wait3A_46] : memref<10112x128xf32, #tpu.memory_space<vmem_shared>> -> memref<10112x128xf32, #tpu.memory_space<vmem_shared>>
        tpu.wait_indirect_dma semaphore(%run_scoped3A : memref<!tpu.dma_semaphore, #tpu.memory_space<semaphore_mem>>) src(%arg16 : memref<128x128xf32, #tpu.memory_space<vmem>>) dst(%dma_wait3A_47 : memref<10112x128xf32, #tpu.memory_space<vmem_shared>>)
        tpu.yield
      }) : () -> ()
    }
    %scan3A_9 = arith.constant 79 : i32
    %scan3A_10 = arith.constant 0 : i32
    %scan3A_11 = arith.constant 0 : i32
    %scan3A_12 = arith.constant 8 : i32
    %scan3A_13 = arith.addi %scan3A_11, %scan3A_12 : i32
    %scan3A_14 = arith.constant 1 : i32
    scf.for %scan3A_25 = %scan3A_11 to %scan3A_13 step %scan3A_14  : i32 {
      %dma_start3A = arith.constant 0 : i32
      %dma_start3A_26 = tpu.memref_slice %arg14[%scan3A_25, %dma_start3A] : memref<8x128xi32, #tpu.memory_space<vmem>> -> memref<1x128xi32, #tpu.memory_space<vmem>>
      %dma_start3A_27 = tpu.memref_squeeze %dma_start3A_26 : memref<1x128xi32, #tpu.memory_space<vmem>> -> memref<128xi32, #tpu.memory_space<vmem>>
      %dma_start3A_28 = arith.constant 0 : i32
      %dma_start3A_29 = arith.constant 0 : i32
      %dma_start3A_30 = tpu.memref_slice %arg2[%dma_start3A_28, %dma_start3A_29] : memref<10000x128xf32, #tpu.memory_space<hbm>> -> memref<10000x128xf32, #tpu.memory_space<hbm>>
      tpu.enqueue_indirect_dma source(%dma_start3A_30 : memref<10000x128xf32, #tpu.memory_space<hbm>>) target(%arg16 : memref<128x128xf32, #tpu.memory_space<vmem>>) offsets(%dma_start3A_27 : memref<128xi32, #tpu.memory_space<vmem>>) semaphore(%arg17 : memref<!tpu.dma_semaphore, #tpu.memory_space<semaphore_mem>>)
      %dma_wait3A = arith.constant 0 : i32
      %dma_wait3A_31 = tpu.memref_slice %arg14[%scan3A_25, %dma_wait3A] : memref<8x128xi32, #tpu.memory_space<vmem>> -> memref<1x128xi32, #tpu.memory_space<vmem>>
      %dma_wait3A_32 = tpu.memref_squeeze %dma_wait3A_31 : memref<1x128xi32, #tpu.memory_space<vmem>> -> memref<128xi32, #tpu.memory_space<vmem>>
      %dma_wait3A_33 = arith.constant 0 : i32
      %dma_wait3A_34 = arith.constant 0 : i32
      %dma_wait3A_35 = tpu.memref_slice %arg2[%dma_wait3A_33, %dma_wait3A_34] : memref<10000x128xf32, #tpu.memory_space<hbm>> -> memref<10000x128xf32, #tpu.memory_space<hbm>>
      tpu.wait_indirect_dma semaphore(%arg17 : memref<!tpu.dma_semaphore, #tpu.memory_space<semaphore_mem>>) src(%dma_wait3A_35 : memref<10000x128xf32, #tpu.memory_space<hbm>>) dst(%arg16 : memref<128x128xf32, #tpu.memory_space<vmem>>)
      "tpu.region"() ({
        %run_scoped3A = tpu.sem_alloc : memref<!tpu.dma_semaphore, #tpu.memory_space<semaphore_mem>>
        %dma_start3A_36 = arith.constant 0 : i32
        %dma_start3A_37 = tpu.memref_slice %arg15[%scan3A_25, %dma_start3A_36] : memref<8x128xi32, #tpu.memory_space<vmem>> -> memref<1x128xi32, #tpu.memory_space<vmem>>
        %dma_start3A_38 = tpu.memref_squeeze %dma_start3A_37 : memref<1x128xi32, #tpu.memory_space<vmem>> -> memref<128xi32, #tpu.memory_space<vmem>>
        %dma_start3A_39 = arith.constant 0 : i32
        %dma_start3A_40 = arith.constant 0 : i32
        %dma_start3A_41 = tpu.memref_slice %arg11[%dma_start3A_39, %dma_start3A_40] : memref<1024x128xf32, #tpu.memory_space<vmem_shared>> -> memref<1024x128xf32, #tpu.memory_space<vmem_shared>>
        tpu.enqueue_indirect_dma source(%arg16 : memref<128x128xf32, #tpu.memory_space<vmem>>) target(%dma_start3A_41 : memref<1024x128xf32, #tpu.memory_space<vmem_shared>>) offsets(%dma_start3A_38 : memref<128xi32, #tpu.memory_space<vmem>>) semaphore(%run_scoped3A : memref<!tpu.dma_semaphore, #tpu.memory_space<semaphore_mem>>) {add = true}
        %dma_wait3A_42 = arith.constant 0 : i32
        %dma_wait3A_43 = tpu.memref_slice %arg15[%scan3A_25, %dma_wait3A_42] : memref<8x128xi32, #tpu.memory_space<vmem>> -> memref<1x128xi32, #tpu.memory_space<vmem>>
        %dma_wait3A_44 = tpu.memref_squeeze %dma_wait3A_43 : memref<1x128xi32, #tpu.memory_space<vmem>> -> memref<128xi32, #tpu.memory_space<vmem>>
        %dma_wait3A_45 = arith.constant 0 : i32
        %dma_wait3A_46 = arith.constant 0 : i32
        %dma_wait3A_47 = tpu.memref_slice %arg11[%dma_wait3A_45, %dma_wait3A_46] : memref<1024x128xf32, #tpu.memory_space<vmem_shared>> -> memref<1024x128xf32, #tpu.memory_space<vmem_shared>>
        tpu.wait_indirect_dma semaphore(%run_scoped3A : memref<!tpu.dma_semaphore, #tpu.memory_space<semaphore_mem>>) src(%arg16 : memref<128x128xf32, #tpu.memory_space<vmem>>) dst(%dma_wait3A_47 : memref<1024x128xf32, #tpu.memory_space<vmem_shared>>)
        tpu.yield
      }) : () -> ()
    }
    %scan3A_15 = arith.constant 8 : i32
    %barrier3A_16 = arith.constant 0 : index
    tpu.barrier barrier_id(%barrier3A_16)
    %mul3A_17 = arith.constant 632 : i32
    %mul3A_18 = arith.muli %arg1, %mul3A_17 : i32
    %mul3A_19 = arith.constant 632 : i32
    %mul3A_20 = arith.muli %arg1, %mul3A_19 : i32
    "tpu.region"() ({
      %run_scoped3A = tpu.sem_alloc : memref<!tpu.dma_semaphore, #tpu.memory_space<semaphore_mem>>
      %dma_start3A = arith.constant 0 : i32
      %dma_start3A_25 = tpu.memref_slice %arg8[%arg0, %mul3A_20, %dma_start3A] : memref<2x10112x128xf32, #tpu.memory_space<hbm>> -> memref<1x632x128xf32, #tpu.memory_space<hbm>>
      %dma_start3A_26 = tpu.memref_squeeze %dma_start3A_25 : memref<1x632x128xf32, #tpu.memory_space<hbm>> -> memref<632x128xf32, #tpu.memory_space<hbm>>
      %dma_start3A_27 = arith.constant 0 : i32
      %dma_start3A_28 = tpu.memref_slice %arg10[%mul3A_18, %dma_start3A_27] : memref<10112x128xf32, #tpu.memory_space<vmem_shared>> -> memref<632x128xf32, #tpu.memory_space<vmem_shared>>
      tpu.enqueue_dma source(%dma_start3A_28 : memref<632x128xf32, #tpu.memory_space<vmem_shared>>) target(%dma_start3A_26 : memref<632x128xf32, #tpu.memory_space<hbm>>) target_semaphore(%run_scoped3A : memref<!tpu.dma_semaphore, #tpu.memory_space<semaphore_mem>>)
      %dma_wait3A = arith.constant 0 : i32
      %dma_wait3A_29 = tpu.memref_slice %arg8[%arg0, %mul3A_20, %dma_wait3A] : memref<2x10112x128xf32, #tpu.memory_space<hbm>> -> memref<1x632x128xf32, #tpu.memory_space<hbm>>
      %dma_wait3A_30 = tpu.memref_squeeze %dma_wait3A_29 : memref<1x632x128xf32, #tpu.memory_space<hbm>> -> memref<632x128xf32, #tpu.memory_space<hbm>>
      %dma_wait3A_31 = arith.constant 0 : i32
      %dma_wait3A_32 = tpu.memref_slice %arg10[%mul3A_18, %dma_wait3A_31] : memref<10112x128xf32, #tpu.memory_space<vmem_shared>> -> memref<632x128xf32, #tpu.memory_space<vmem_shared>>
      tpu.wait_dma2 semaphore(%run_scoped3A : memref<!tpu.dma_semaphore, #tpu.memory_space<semaphore_mem>>) src(%dma_wait3A_32 : memref<632x128xf32, #tpu.memory_space<vmem_shared>>) dst(%dma_wait3A_30 : memref<632x128xf32, #tpu.memory_space<hbm>>)
      tpu.yield
    }) : () -> ()
    %mul3A_21 = arith.constant 64 : i32
    %mul3A_22 = arith.muli %arg1, %mul3A_21 : i32
    %mul3A_23 = arith.constant 64 : i32
    %mul3A_24 = arith.muli %arg1, %mul3A_23 : i32
    "tpu.region"() ({
      %run_scoped3A = tpu.sem_alloc : memref<!tpu.dma_semaphore, #tpu.memory_space<semaphore_mem>>
      %dma_start3A = arith.constant 0 : i32
      %dma_start3A_25 = tpu.memref_slice %arg9[%arg0, %mul3A_24, %dma_start3A] : memref<2x1024x128xf32, #tpu.memory_space<hbm>> -> memref<1x64x128xf32, #tpu.memory_space<hbm>>
      %dma_start3A_26 = tpu.memref_squeeze %dma_start3A_25 : memref<1x64x128xf32, #tpu.memory_space<hbm>> -> memref<64x128xf32, #tpu.memory_space<hbm>>
      %dma_start3A_27 = arith.constant 0 : i32
      %dma_start3A_28 = tpu.memref_slice %arg11[%mul3A_22, %dma_start3A_27] : memref<1024x128xf32, #tpu.memory_space<vmem_shared>> -> memref<64x128xf32, #tpu.memory_space<vmem_shared>>
      tpu.enqueue_dma source(%dma_start3A_28 : memref<64x128xf32, #tpu.memory_space<vmem_shared>>) target(%dma_start3A_26 : memref<64x128xf32, #tpu.memory_space<hbm>>) target_semaphore(%run_scoped3A : memref<!tpu.dma_semaphore, #tpu.memory_space<semaphore_mem>>)
      %dma_wait3A = arith.constant 0 : i32
      %dma_wait3A_29 = tpu.memref_slice %arg9[%arg0, %mul3A_24, %dma_wait3A] : memref<2x1024x128xf32, #tpu.memory_space<hbm>> -> memref<1x64x128xf32, #tpu.memory_space<hbm>>
      %dma_wait3A_30 = tpu.memref_squeeze %dma_wait3A_29 : memref<1x64x128xf32, #tpu.memory_space<hbm>> -> memref<64x128xf32, #tpu.memory_space<hbm>>
      %dma_wait3A_31 = arith.constant 0 : i32
      %dma_wait3A_32 = tpu.memref_slice %arg11[%mul3A_22, %dma_wait3A_31] : memref<1024x128xf32, #tpu.memory_space<vmem_shared>> -> memref<64x128xf32, #tpu.memory_space<vmem_shared>>
      tpu.wait_dma2 semaphore(%run_scoped3A : memref<!tpu.dma_semaphore, #tpu.memory_space<semaphore_mem>>) src(%dma_wait3A_32 : memref<64x128xf32, #tpu.memory_space<vmem_shared>>) dst(%dma_wait3A_30 : memref<64x128xf32, #tpu.memory_space<hbm>>)
      tpu.yield
    }) : () -> ()
    return
  }
}

#map = affine_map<(d0, d1) -> (0, 0)>
#map1 = affine_map<(d0, d1) -> (0, 0, 0)>
module attributes {stable_mosaic.version = 14 : i64} {
  func.func @_sc_body(%arg0: i32, %arg1: i32, %arg2: memref<10000x128xf32, #tpu.memory_space<hbm>>, %arg3: memref<32x79x128xi32, #tpu.memory_space<hbm>>, %arg4: memref<32x79x128xi32, #tpu.memory_space<hbm>>, %arg5: memref<32x8x128xi32, #tpu.memory_space<hbm>>, %arg6: memref<32x8x128xi32, #tpu.memory_space<hbm>>, %arg7: memref<632x128xf32, #tpu.memory_space<hbm>>, %arg8: memref<2x10112x128xf32, #tpu.memory_space<hbm>>, %arg9: memref<2x1024x128xf32, #tpu.memory_space<hbm>>, %arg10: memref<10112x128xf32, #tpu.memory_space<vmem_shared>>, %arg11: memref<1024x128xf32, #tpu.memory_space<vmem_shared>>, %arg12: memref<79x128xi32, #tpu.memory_space<vmem>>, %arg13: memref<79x128xi32, #tpu.memory_space<vmem>>, %arg14: memref<8x128xi32, #tpu.memory_space<vmem>>, %arg15: memref<8x128xi32, #tpu.memory_space<vmem>>, %arg16: memref<128x128xf32, #tpu.memory_space<vmem>>, %arg17: memref<!tpu.dma_semaphore, #tpu.memory_space<semaphore_mem>>) attributes {dimension_semantics = [#tpu.dimension_semantics<core_parallel>, #tpu.dimension_semantics<subcore_parallel>], iteration_bounds = array<i64: 2, 16>, scalar_prefetch = 0 : i64, scratch_operands = 8 : i64, tpu.core_type = #tpu.core_type<sc_vector_subcore>, window_params = [{transform_indices = #map}, {transform_indices = #map1}, {transform_indices = #map1}, {transform_indices = #map1}, {transform_indices = #map1}, {transform_indices = #map}, {transform_indices = #map1}, {transform_indices = #map1}]} {
    %mul3A = arith.constant 16 : i32
    %mul3A_0 = arith.muli %arg0, %mul3A : i32
    %add3A = arith.addi %mul3A_0, %arg1 : i32
    "tpu.region"() ({
      %run_scoped3A = tpu.sem_alloc : memref<!tpu.dma_semaphore, #tpu.memory_space<semaphore_mem>>
      %dma_start3A = arith.constant 0 : i32
      %dma_start3A_25 = arith.constant 0 : i32
      %dma_start3A_26 = tpu.memref_slice %arg3[%add3A, %dma_start3A, %dma_start3A_25] : memref<32x79x128xi32, #tpu.memory_space<hbm>> -> memref<1x79x128xi32, #tpu.memory_space<hbm>>
      %dma_start3A_27 = tpu.memref_squeeze %dma_start3A_26 : memref<1x79x128xi32, #tpu.memory_space<hbm>> -> memref<79x128xi32, #tpu.memory_space<hbm>>
      %dma_start3A_28 = arith.constant 0 : i32
      %dma_start3A_29 = arith.constant 0 : i32
      %dma_start3A_30 = tpu.memref_slice %arg3[%add3A, %dma_start3A_28, %dma_start3A_29] : memref<32x79x128xi32, #tpu.memory_space<hbm>> -> memref<1x79x128xi32, #tpu.memory_space<hbm>>
      %dma_start3A_31 = tpu.memref_squeeze %dma_start3A_30 : memref<1x79x128xi32, #tpu.memory_space<hbm>> -> memref<79x128xi32, #tpu.memory_space<hbm>>
      tpu.enqueue_dma source(%dma_start3A_31 : memref<79x128xi32, #tpu.memory_space<hbm>>) target(%arg12 : memref<79x128xi32, #tpu.memory_space<vmem>>) target_semaphore(%run_scoped3A : memref<!tpu.dma_semaphore, #tpu.memory_space<semaphore_mem>>)
      %dma_wait3A = arith.constant 0 : i32
      %dma_wait3A_32 = arith.constant 0 : i32
      %dma_wait3A_33 = tpu.memref_slice %arg3[%add3A, %dma_wait3A, %dma_wait3A_32] : memref<32x79x128xi32, #tpu.memory_space<hbm>> -> memref<1x79x128xi32, #tpu.memory_space<hbm>>
      %dma_wait3A_34 = tpu.memref_squeeze %dma_wait3A_33 : memref<1x79x128xi32, #tpu.memory_space<hbm>> -> memref<79x128xi32, #tpu.memory_space<hbm>>
      %dma_wait3A_35 = arith.constant 0 : i32
      %dma_wait3A_36 = arith.constant 0 : i32
      %dma_wait3A_37 = tpu.memref_slice %arg3[%add3A, %dma_wait3A_35, %dma_wait3A_36] : memref<32x79x128xi32, #tpu.memory_space<hbm>> -> memref<1x79x128xi32, #tpu.memory_space<hbm>>
      %dma_wait3A_38 = tpu.memref_squeeze %dma_wait3A_37 : memref<1x79x128xi32, #tpu.memory_space<hbm>> -> memref<79x128xi32, #tpu.memory_space<hbm>>
      tpu.wait_dma2 semaphore(%run_scoped3A : memref<!tpu.dma_semaphore, #tpu.memory_space<semaphore_mem>>) src(%dma_wait3A_38 : memref<79x128xi32, #tpu.memory_space<hbm>>) dst(%arg12 : memref<79x128xi32, #tpu.memory_space<vmem>>)
      tpu.yield
    }) : () -> ()
    "tpu.region"() ({
      %run_scoped3A = tpu.sem_alloc : memref<!tpu.dma_semaphore, #tpu.memory_space<semaphore_mem>>
      %dma_start3A = arith.constant 0 : i32
      %dma_start3A_25 = arith.constant 0 : i32
      %dma_start3A_26 = tpu.memref_slice %arg4[%add3A, %dma_start3A, %dma_start3A_25] : memref<32x79x128xi32, #tpu.memory_space<hbm>> -> memref<1x79x128xi32, #tpu.memory_space<hbm>>
      %dma_start3A_27 = tpu.memref_squeeze %dma_start3A_26 : memref<1x79x128xi32, #tpu.memory_space<hbm>> -> memref<79x128xi32, #tpu.memory_space<hbm>>
      %dma_start3A_28 = arith.constant 0 : i32
      %dma_start3A_29 = arith.constant 0 : i32
      %dma_start3A_30 = tpu.memref_slice %arg4[%add3A, %dma_start3A_28, %dma_start3A_29] : memref<32x79x128xi32, #tpu.memory_space<hbm>> -> memref<1x79x128xi32, #tpu.memory_space<hbm>>
      %dma_start3A_31 = tpu.memref_squeeze %dma_start3A_30 : memref<1x79x128xi32, #tpu.memory_space<hbm>> -> memref<79x128xi32, #tpu.memory_space<hbm>>
      tpu.enqueue_dma source(%dma_start3A_31 : memref<79x128xi32, #tpu.memory_space<hbm>>) target(%arg13 : memref<79x128xi32, #tpu.memory_space<vmem>>) target_semaphore(%run_scoped3A : memref<!tpu.dma_semaphore, #tpu.memory_space<semaphore_mem>>)
      %dma_wait3A = arith.constant 0 : i32
      %dma_wait3A_32 = arith.constant 0 : i32
      %dma_wait3A_33 = tpu.memref_slice %arg4[%add3A, %dma_wait3A, %dma_wait3A_32] : memref<32x79x128xi32, #tpu.memory_space<hbm>> -> memref<1x79x128xi32, #tpu.memory_space<hbm>>
      %dma_wait3A_34 = tpu.memref_squeeze %dma_wait3A_33 : memref<1x79x128xi32, #tpu.memory_space<hbm>> -> memref<79x128xi32, #tpu.memory_space<hbm>>
      %dma_wait3A_35 = arith.constant 0 : i32
      %dma_wait3A_36 = arith.constant 0 : i32
      %dma_wait3A_37 = tpu.memref_slice %arg4[%add3A, %dma_wait3A_35, %dma_wait3A_36] : memref<32x79x128xi32, #tpu.memory_space<hbm>> -> memref<1x79x128xi32, #tpu.memory_space<hbm>>
      %dma_wait3A_38 = tpu.memref_squeeze %dma_wait3A_37 : memref<1x79x128xi32, #tpu.memory_space<hbm>> -> memref<79x128xi32, #tpu.memory_space<hbm>>
      tpu.wait_dma2 semaphore(%run_scoped3A : memref<!tpu.dma_semaphore, #tpu.memory_space<semaphore_mem>>) src(%dma_wait3A_38 : memref<79x128xi32, #tpu.memory_space<hbm>>) dst(%arg13 : memref<79x128xi32, #tpu.memory_space<vmem>>)
      tpu.yield
    }) : () -> ()
    "tpu.region"() ({
      %run_scoped3A = tpu.sem_alloc : memref<!tpu.dma_semaphore, #tpu.memory_space<semaphore_mem>>
      %dma_start3A = arith.constant 0 : i32
      %dma_start3A_25 = arith.constant 0 : i32
      %dma_start3A_26 = tpu.memref_slice %arg5[%add3A, %dma_start3A, %dma_start3A_25] : memref<32x8x128xi32, #tpu.memory_space<hbm>> -> memref<1x8x128xi32, #tpu.memory_space<hbm>>
      %dma_start3A_27 = tpu.memref_squeeze %dma_start3A_26 : memref<1x8x128xi32, #tpu.memory_space<hbm>> -> memref<8x128xi32, #tpu.memory_space<hbm>>
      %dma_start3A_28 = arith.constant 0 : i32
      %dma_start3A_29 = arith.constant 0 : i32
      %dma_start3A_30 = tpu.memref_slice %arg5[%add3A, %dma_start3A_28, %dma_start3A_29] : memref<32x8x128xi32, #tpu.memory_space<hbm>> -> memref<1x8x128xi32, #tpu.memory_space<hbm>>
      %dma_start3A_31 = tpu.memref_squeeze %dma_start3A_30 : memref<1x8x128xi32, #tpu.memory_space<hbm>> -> memref<8x128xi32, #tpu.memory_space<hbm>>
      tpu.enqueue_dma source(%dma_start3A_31 : memref<8x128xi32, #tpu.memory_space<hbm>>) target(%arg14 : memref<8x128xi32, #tpu.memory_space<vmem>>) target_semaphore(%run_scoped3A : memref<!tpu.dma_semaphore, #tpu.memory_space<semaphore_mem>>)
      %dma_wait3A = arith.constant 0 : i32
      %dma_wait3A_32 = arith.constant 0 : i32
      %dma_wait3A_33 = tpu.memref_slice %arg5[%add3A, %dma_wait3A, %dma_wait3A_32] : memref<32x8x128xi32, #tpu.memory_space<hbm>> -> memref<1x8x128xi32, #tpu.memory_space<hbm>>
      %dma_wait3A_34 = tpu.memref_squeeze %dma_wait3A_33 : memref<1x8x128xi32, #tpu.memory_space<hbm>> -> memref<8x128xi32, #tpu.memory_space<hbm>>
      %dma_wait3A_35 = arith.constant 0 : i32
      %dma_wait3A_36 = arith.constant 0 : i32
      %dma_wait3A_37 = tpu.memref_slice %arg5[%add3A, %dma_wait3A_35, %dma_wait3A_36] : memref<32x8x128xi32, #tpu.memory_space<hbm>> -> memref<1x8x128xi32, #tpu.memory_space<hbm>>
      %dma_wait3A_38 = tpu.memref_squeeze %dma_wait3A_37 : memref<1x8x128xi32, #tpu.memory_space<hbm>> -> memref<8x128xi32, #tpu.memory_space<hbm>>
      tpu.wait_dma2 semaphore(%run_scoped3A : memref<!tpu.dma_semaphore, #tpu.memory_space<semaphore_mem>>) src(%dma_wait3A_38 : memref<8x128xi32, #tpu.memory_space<hbm>>) dst(%arg14 : memref<8x128xi32, #tpu.memory_space<vmem>>)
      tpu.yield
    }) : () -> ()
    "tpu.region"() ({
      %run_scoped3A = tpu.sem_alloc : memref<!tpu.dma_semaphore, #tpu.memory_space<semaphore_mem>>
      %dma_start3A = arith.constant 0 : i32
      %dma_start3A_25 = arith.constant 0 : i32
      %dma_start3A_26 = tpu.memref_slice %arg6[%add3A, %dma_start3A, %dma_start3A_25] : memref<32x8x128xi32, #tpu.memory_space<hbm>> -> memref<1x8x128xi32, #tpu.memory_space<hbm>>
      %dma_start3A_27 = tpu.memref_squeeze %dma_start3A_26 : memref<1x8x128xi32, #tpu.memory_space<hbm>> -> memref<8x128xi32, #tpu.memory_space<hbm>>
      %dma_start3A_28 = arith.constant 0 : i32
      %dma_start3A_29 = arith.constant 0 : i32
      %dma_start3A_30 = tpu.memref_slice %arg6[%add3A, %dma_start3A_28, %dma_start3A_29] : memref<32x8x128xi32, #tpu.memory_space<hbm>> -> memref<1x8x128xi32, #tpu.memory_space<hbm>>
      %dma_start3A_31 = tpu.memref_squeeze %dma_start3A_30 : memref<1x8x128xi32, #tpu.memory_space<hbm>> -> memref<8x128xi32, #tpu.memory_space<hbm>>
      tpu.enqueue_dma source(%dma_start3A_31 : memref<8x128xi32, #tpu.memory_space<hbm>>) target(%arg15 : memref<8x128xi32, #tpu.memory_space<vmem>>) target_semaphore(%run_scoped3A : memref<!tpu.dma_semaphore, #tpu.memory_space<semaphore_mem>>)
      %dma_wait3A = arith.constant 0 : i32
      %dma_wait3A_32 = arith.constant 0 : i32
      %dma_wait3A_33 = tpu.memref_slice %arg6[%add3A, %dma_wait3A, %dma_wait3A_32] : memref<32x8x128xi32, #tpu.memory_space<hbm>> -> memref<1x8x128xi32, #tpu.memory_space<hbm>>
      %dma_wait3A_34 = tpu.memref_squeeze %dma_wait3A_33 : memref<1x8x128xi32, #tpu.memory_space<hbm>> -> memref<8x128xi32, #tpu.memory_space<hbm>>
      %dma_wait3A_35 = arith.constant 0 : i32
      %dma_wait3A_36 = arith.constant 0 : i32
      %dma_wait3A_37 = tpu.memref_slice %arg6[%add3A, %dma_wait3A_35, %dma_wait3A_36] : memref<32x8x128xi32, #tpu.memory_space<hbm>> -> memref<1x8x128xi32, #tpu.memory_space<hbm>>
      %dma_wait3A_38 = tpu.memref_squeeze %dma_wait3A_37 : memref<1x8x128xi32, #tpu.memory_space<hbm>> -> memref<8x128xi32, #tpu.memory_space<hbm>>
      tpu.wait_dma2 semaphore(%run_scoped3A : memref<!tpu.dma_semaphore, #tpu.memory_space<semaphore_mem>>) src(%dma_wait3A_38 : memref<8x128xi32, #tpu.memory_space<hbm>>) dst(%arg15 : memref<8x128xi32, #tpu.memory_space<vmem>>)
      tpu.yield
    }) : () -> ()
    %mul3A_1 = arith.constant 632 : i32
    %mul3A_2 = arith.muli %arg1, %mul3A_1 : i32
    "tpu.region"() ({
      %run_scoped3A = tpu.sem_alloc : memref<!tpu.dma_semaphore, #tpu.memory_space<semaphore_mem>>
      %dma_start3A = arith.constant 0 : i32
      %dma_start3A_25 = tpu.memref_slice %arg10[%mul3A_2, %dma_start3A] : memref<10112x128xf32, #tpu.memory_space<vmem_shared>> -> memref<632x128xf32, #tpu.memory_space<vmem_shared>>
      tpu.enqueue_dma source(%arg7 : memref<632x128xf32, #tpu.memory_space<hbm>>) target(%dma_start3A_25 : memref<632x128xf32, #tpu.memory_space<vmem_shared>>) target_semaphore(%run_scoped3A : memref<!tpu.dma_semaphore, #tpu.memory_space<semaphore_mem>>)
      %dma_wait3A = arith.constant 0 : i32
      %dma_wait3A_26 = tpu.memref_slice %arg10[%mul3A_2, %dma_wait3A] : memref<10112x128xf32, #tpu.memory_space<vmem_shared>> -> memref<632x128xf32, #tpu.memory_space<vmem_shared>>
      tpu.wait_dma2 semaphore(%run_scoped3A : memref<!tpu.dma_semaphore, #tpu.memory_space<semaphore_mem>>) src(%arg7 : memref<632x128xf32, #tpu.memory_space<hbm>>) dst(%dma_wait3A_26 : memref<632x128xf32, #tpu.memory_space<vmem_shared>>)
      tpu.yield
    }) : () -> ()
    %mul3A_3 = arith.constant 64 : i32
    %mul3A_4 = arith.muli %arg1, %mul3A_3 : i32
    "tpu.region"() ({
      %run_scoped3A = tpu.sem_alloc : memref<!tpu.dma_semaphore, #tpu.memory_space<semaphore_mem>>
      %dma_start3A = arith.constant 0 : i32
      %dma_start3A_25 = tpu.memref_slice %arg11[%mul3A_4, %dma_start3A] : memref<1024x128xf32, #tpu.memory_space<vmem_shared>> -> memref<64x128xf32, #tpu.memory_space<vmem_shared>>
      %dma_start3A_26 = arith.constant 0 : i32
      %dma_start3A_27 = arith.constant 0 : i32
      %dma_start3A_28 = tpu.memref_slice %arg7[%dma_start3A_26, %dma_start3A_27] : memref<632x128xf32, #tpu.memory_space<hbm>> -> memref<64x128xf32, #tpu.memory_space<hbm>>
      tpu.enqueue_dma source(%dma_start3A_28 : memref<64x128xf32, #tpu.memory_space<hbm>>) target(%dma_start3A_25 : memref<64x128xf32, #tpu.memory_space<vmem_shared>>) target_semaphore(%run_scoped3A : memref<!tpu.dma_semaphore, #tpu.memory_space<semaphore_mem>>)
      %dma_wait3A = arith.constant 0 : i32
      %dma_wait3A_29 = tpu.memref_slice %arg11[%mul3A_4, %dma_wait3A] : memref<1024x128xf32, #tpu.memory_space<vmem_shared>> -> memref<64x128xf32, #tpu.memory_space<vmem_shared>>
      %dma_wait3A_30 = arith.constant 0 : i32
      %dma_wait3A_31 = arith.constant 0 : i32
      %dma_wait3A_32 = tpu.memref_slice %arg7[%dma_wait3A_30, %dma_wait3A_31] : memref<632x128xf32, #tpu.memory_space<hbm>> -> memref<64x128xf32, #tpu.memory_space<hbm>>
      tpu.wait_dma2 semaphore(%run_scoped3A : memref<!tpu.dma_semaphore, #tpu.memory_space<semaphore_mem>>) src(%dma_wait3A_32 : memref<64x128xf32, #tpu.memory_space<hbm>>) dst(%dma_wait3A_29 : memref<64x128xf32, #tpu.memory_space<vmem_shared>>)
      tpu.yield
    }) : () -> ()
    %barrier3A = arith.constant 0 : index
    tpu.barrier barrier_id(%barrier3A)
    %scan3A = arith.constant 0 : i32
    %scan3A_5 = arith.constant 0 : i32
    %scan3A_6 = arith.constant 79 : i32
    %scan3A_7 = arith.addi %scan3A_5, %scan3A_6 : i32
    %scan3A_8 = arith.constant 1 : i32
    scf.for %scan3A_25 = %scan3A_5 to %scan3A_7 step %scan3A_8  : i32 {
      %dma_start3A = arith.constant 0 : i32
      %dma_start3A_26 = tpu.memref_slice %arg12[%scan3A_25, %dma_start3A] : memref<79x128xi32, #tpu.memory_space<vmem>> -> memref<1x128xi32, #tpu.memory_space<vmem>>
      %dma_start3A_27 = tpu.memref_squeeze %dma_start3A_26 : memref<1x128xi32, #tpu.memory_space<vmem>> -> memref<128xi32, #tpu.memory_space<vmem>>
      %dma_start3A_28 = arith.constant 0 : i32
      %dma_start3A_29 = arith.constant 0 : i32
      %dma_start3A_30 = tpu.memref_slice %arg2[%dma_start3A_28, %dma_start3A_29] : memref<10000x128xf32, #tpu.memory_space<hbm>> -> memref<10000x128xf32, #tpu.memory_space<hbm>>
      tpu.enqueue_indirect_dma source(%dma_start3A_30 : memref<10000x128xf32, #tpu.memory_space<hbm>>) target(%arg16 : memref<128x128xf32, #tpu.memory_space<vmem>>) offsets(%dma_start3A_27 : memref<128xi32, #tpu.memory_space<vmem>>) semaphore(%arg17 : memref<!tpu.dma_semaphore, #tpu.memory_space<semaphore_mem>>)
      %dma_wait3A = arith.constant 0 : i32
      %dma_wait3A_31 = tpu.memref_slice %arg12[%scan3A_25, %dma_wait3A] : memref<79x128xi32, #tpu.memory_space<vmem>> -> memref<1x128xi32, #tpu.memory_space<vmem>>
      %dma_wait3A_32 = tpu.memref_squeeze %dma_wait3A_31 : memref<1x128xi32, #tpu.memory_space<vmem>> -> memref<128xi32, #tpu.memory_space<vmem>>
      %dma_wait3A_33 = arith.constant 0 : i32
      %dma_wait3A_34 = arith.constant 0 : i32
      %dma_wait3A_35 = tpu.memref_slice %arg2[%dma_wait3A_33, %dma_wait3A_34] : memref<10000x128xf32, #tpu.memory_space<hbm>> -> memref<10000x128xf32, #tpu.memory_space<hbm>>
      tpu.wait_indirect_dma semaphore(%arg17 : memref<!tpu.dma_semaphore, #tpu.memory_space<semaphore_mem>>) src(%dma_wait3A_35 : memref<10000x128xf32, #tpu.memory_space<hbm>>) dst(%arg16 : memref<128x128xf32, #tpu.memory_space<vmem>>)
      "tpu.region"() ({
        %run_scoped3A = tpu.sem_alloc : memref<!tpu.dma_semaphore, #tpu.memory_space<semaphore_mem>>
        %dma_start3A_36 = arith.constant 0 : i32
        %dma_start3A_37 = tpu.memref_slice %arg13[%scan3A_25, %dma_start3A_36] : memref<79x128xi32, #tpu.memory_space<vmem>> -> memref<1x128xi32, #tpu.memory_space<vmem>>
        %dma_start3A_38 = tpu.memref_squeeze %dma_start3A_37 : memref<1x128xi32, #tpu.memory_space<vmem>> -> memref<128xi32, #tpu.memory_space<vmem>>
        %dma_start3A_39 = arith.constant 0 : i32
        %dma_start3A_40 = arith.constant 0 : i32
        %dma_start3A_41 = tpu.memref_slice %arg10[%dma_start3A_39, %dma_start3A_40] : memref<10112x128xf32, #tpu.memory_space<vmem_shared>> -> memref<10112x128xf32, #tpu.memory_space<vmem_shared>>
        tpu.enqueue_indirect_dma source(%arg16 : memref<128x128xf32, #tpu.memory_space<vmem>>) target(%dma_start3A_41 : memref<10112x128xf32, #tpu.memory_space<vmem_shared>>) offsets(%dma_start3A_38 : memref<128xi32, #tpu.memory_space<vmem>>) semaphore(%run_scoped3A : memref<!tpu.dma_semaphore, #tpu.memory_space<semaphore_mem>>) {add = true}
        %dma_wait3A_42 = arith.constant 0 : i32
        %dma_wait3A_43 = tpu.memref_slice %arg13[%scan3A_25, %dma_wait3A_42] : memref<79x128xi32, #tpu.memory_space<vmem>> -> memref<1x128xi32, #tpu.memory_space<vmem>>
        %dma_wait3A_44 = tpu.memref_squeeze %dma_wait3A_43 : memref<1x128xi32, #tpu.memory_space<vmem>> -> memref<128xi32, #tpu.memory_space<vmem>>
        %dma_wait3A_45 = arith.constant 0 : i32
        %dma_wait3A_46 = arith.constant 0 : i32
        %dma_wait3A_47 = tpu.memref_slice %arg10[%dma_wait3A_45, %dma_wait3A_46] : memref<10112x128xf32, #tpu.memory_space<vmem_shared>> -> memref<10112x128xf32, #tpu.memory_space<vmem_shared>>
        tpu.wait_indirect_dma semaphore(%run_scoped3A : memref<!tpu.dma_semaphore, #tpu.memory_space<semaphore_mem>>) src(%arg16 : memref<128x128xf32, #tpu.memory_space<vmem>>) dst(%dma_wait3A_47 : memref<10112x128xf32, #tpu.memory_space<vmem_shared>>)
        tpu.yield
      }) : () -> ()
    }
    %scan3A_9 = arith.constant 79 : i32
    %scan3A_10 = arith.constant 0 : i32
    %scan3A_11 = arith.constant 0 : i32
    %scan3A_12 = arith.constant 8 : i32
    %scan3A_13 = arith.addi %scan3A_11, %scan3A_12 : i32
    %scan3A_14 = arith.constant 1 : i32
    scf.for %scan3A_25 = %scan3A_11 to %scan3A_13 step %scan3A_14  : i32 {
      %dma_start3A = arith.constant 0 : i32
      %dma_start3A_26 = tpu.memref_slice %arg14[%scan3A_25, %dma_start3A] : memref<8x128xi32, #tpu.memory_space<vmem>> -> memref<1x128xi32, #tpu.memory_space<vmem>>
      %dma_start3A_27 = tpu.memref_squeeze %dma_start3A_26 : memref<1x128xi32, #tpu.memory_space<vmem>> -> memref<128xi32, #tpu.memory_space<vmem>>
      %dma_start3A_28 = arith.constant 0 : i32
      %dma_start3A_29 = arith.constant 0 : i32
      %dma_start3A_30 = tpu.memref_slice %arg2[%dma_start3A_28, %dma_start3A_29] : memref<10000x128xf32, #tpu.memory_space<hbm>> -> memref<10000x128xf32, #tpu.memory_space<hbm>>
      tpu.enqueue_indirect_dma source(%dma_start3A_30 : memref<10000x128xf32, #tpu.memory_space<hbm>>) target(%arg16 : memref<128x128xf32, #tpu.memory_space<vmem>>) offsets(%dma_start3A_27 : memref<128xi32, #tpu.memory_space<vmem>>) semaphore(%arg17 : memref<!tpu.dma_semaphore, #tpu.memory_space<semaphore_mem>>)
      %dma_wait3A = arith.constant 0 : i32
      %dma_wait3A_31 = tpu.memref_slice %arg14[%scan3A_25, %dma_wait3A] : memref<8x128xi32, #tpu.memory_space<vmem>> -> memref<1x128xi32, #tpu.memory_space<vmem>>
      %dma_wait3A_32 = tpu.memref_squeeze %dma_wait3A_31 : memref<1x128xi32, #tpu.memory_space<vmem>> -> memref<128xi32, #tpu.memory_space<vmem>>
      %dma_wait3A_33 = arith.constant 0 : i32
      %dma_wait3A_34 = arith.constant 0 : i32
      %dma_wait3A_35 = tpu.memref_slice %arg2[%dma_wait3A_33, %dma_wait3A_34] : memref<10000x128xf32, #tpu.memory_space<hbm>> -> memref<10000x128xf32, #tpu.memory_space<hbm>>
      tpu.wait_indirect_dma semaphore(%arg17 : memref<!tpu.dma_semaphore, #tpu.memory_space<semaphore_mem>>) src(%dma_wait3A_35 : memref<10000x128xf32, #tpu.memory_space<hbm>>) dst(%arg16 : memref<128x128xf32, #tpu.memory_space<vmem>>)
      "tpu.region"() ({
        %run_scoped3A = tpu.sem_alloc : memref<!tpu.dma_semaphore, #tpu.memory_space<semaphore_mem>>
        %dma_start3A_36 = arith.constant 0 : i32
        %dma_start3A_37 = tpu.memref_slice %arg15[%scan3A_25, %dma_start3A_36] : memref<8x128xi32, #tpu.memory_space<vmem>> -> memref<1x128xi32, #tpu.memory_space<vmem>>
        %dma_start3A_38 = tpu.memref_squeeze %dma_start3A_37 : memref<1x128xi32, #tpu.memory_space<vmem>> -> memref<128xi32, #tpu.memory_space<vmem>>
        %dma_start3A_39 = arith.constant 0 : i32
        %dma_start3A_40 = arith.constant 0 : i32
        %dma_start3A_41 = tpu.memref_slice %arg11[%dma_start3A_39, %dma_start3A_40] : memref<1024x128xf32, #tpu.memory_space<vmem_shared>> -> memref<1024x128xf32, #tpu.memory_space<vmem_shared>>
        tpu.enqueue_indirect_dma source(%arg16 : memref<128x128xf32, #tpu.memory_space<vmem>>) target(%dma_start3A_41 : memref<1024x128xf32, #tpu.memory_space<vmem_shared>>) offsets(%dma_start3A_38 : memref<128xi32, #tpu.memory_space<vmem>>) semaphore(%run_scoped3A : memref<!tpu.dma_semaphore, #tpu.memory_space<semaphore_mem>>) {add = true}
        %dma_wait3A_42 = arith.constant 0 : i32
        %dma_wait3A_43 = tpu.memref_slice %arg15[%scan3A_25, %dma_wait3A_42] : memref<8x128xi32, #tpu.memory_space<vmem>> -> memref<1x128xi32, #tpu.memory_space<vmem>>
        %dma_wait3A_44 = tpu.memref_squeeze %dma_wait3A_43 : memref<1x128xi32, #tpu.memory_space<vmem>> -> memref<128xi32, #tpu.memory_space<vmem>>
        %dma_wait3A_45 = arith.constant 0 : i32
        %dma_wait3A_46 = arith.constant 0 : i32
        %dma_wait3A_47 = tpu.memref_slice %arg11[%dma_wait3A_45, %dma_wait3A_46] : memref<1024x128xf32, #tpu.memory_space<vmem_shared>> -> memref<1024x128xf32, #tpu.memory_space<vmem_shared>>
        tpu.wait_indirect_dma semaphore(%run_scoped3A : memref<!tpu.dma_semaphore, #tpu.memory_space<semaphore_mem>>) src(%arg16 : memref<128x128xf32, #tpu.memory_space<vmem>>) dst(%dma_wait3A_47 : memref<1024x128xf32, #tpu.memory_space<vmem_shared>>)
        tpu.yield
      }) : () -> ()
    }
    %scan3A_15 = arith.constant 8 : i32
    %barrier3A_16 = arith.constant 0 : index
    tpu.barrier barrier_id(%barrier3A_16)
    %mul3A_17 = arith.constant 632 : i32
    %mul3A_18 = arith.muli %arg1, %mul3A_17 : i32
    %mul3A_19 = arith.constant 632 : i32
    %mul3A_20 = arith.muli %arg1, %mul3A_19 : i32
    "tpu.region"() ({
      %run_scoped3A = tpu.sem_alloc : memref<!tpu.dma_semaphore, #tpu.memory_space<semaphore_mem>>
      %dma_start3A = arith.constant 0 : i32
      %dma_start3A_25 = tpu.memref_slice %arg8[%arg0, %mul3A_20, %dma_start3A] : memref<2x10112x128xf32, #tpu.memory_space<hbm>> -> memref<1x632x128xf32, #tpu.memory_space<hbm>>
      %dma_start3A_26 = tpu.memref_squeeze %dma_start3A_25 : memref<1x632x128xf32, #tpu.memory_space<hbm>> -> memref<632x128xf32, #tpu.memory_space<hbm>>
      %dma_start3A_27 = arith.constant 0 : i32
      %dma_start3A_28 = tpu.memref_slice %arg10[%mul3A_18, %dma_start3A_27] : memref<10112x128xf32, #tpu.memory_space<vmem_shared>> -> memref<632x128xf32, #tpu.memory_space<vmem_shared>>
      tpu.enqueue_dma source(%dma_start3A_28 : memref<632x128xf32, #tpu.memory_space<vmem_shared>>) target(%dma_start3A_26 : memref<632x128xf32, #tpu.memory_space<hbm>>) target_semaphore(%run_scoped3A : memref<!tpu.dma_semaphore, #tpu.memory_space<semaphore_mem>>)
      %dma_wait3A = arith.constant 0 : i32
      %dma_wait3A_29 = tpu.memref_slice %arg8[%arg0, %mul3A_20, %dma_wait3A] : memref<2x10112x128xf32, #tpu.memory_space<hbm>> -> memref<1x632x128xf32, #tpu.memory_space<hbm>>
      %dma_wait3A_30 = tpu.memref_squeeze %dma_wait3A_29 : memref<1x632x128xf32, #tpu.memory_space<hbm>> -> memref<632x128xf32, #tpu.memory_space<hbm>>
      %dma_wait3A_31 = arith.constant 0 : i32
      %dma_wait3A_32 = tpu.memref_slice %arg10[%mul3A_18, %dma_wait3A_31] : memref<10112x128xf32, #tpu.memory_space<vmem_shared>> -> memref<632x128xf32, #tpu.memory_space<vmem_shared>>
      tpu.wait_dma2 semaphore(%run_scoped3A : memref<!tpu.dma_semaphore, #tpu.memory_space<semaphore_mem>>) src(%dma_wait3A_32 : memref<632x128xf32, #tpu.memory_space<vmem_shared>>) dst(%dma_wait3A_30 : memref<632x128xf32, #tpu.memory_space<hbm>>)
      tpu.yield
    }) : () -> ()
    %mul3A_21 = arith.constant 64 : i32
    %mul3A_22 = arith.muli %arg1, %mul3A_21 : i32
    %mul3A_23 = arith.constant 64 : i32
    %mul3A_24 = arith.muli %arg1, %mul3A_23 : i32
    "tpu.region"() ({
      %run_scoped3A = tpu.sem_alloc : memref<!tpu.dma_semaphore, #tpu.memory_space<semaphore_mem>>
      %dma_start3A = arith.constant 0 : i32
      %dma_start3A_25 = tpu.memref_slice %arg9[%arg0, %mul3A_24, %dma_start3A] : memref<2x1024x128xf32, #tpu.memory_space<hbm>> -> memref<1x64x128xf32, #tpu.memory_space<hbm>>
      %dma_start3A_26 = tpu.memref_squeeze %dma_start3A_25 : memref<1x64x128xf32, #tpu.memory_space<hbm>> -> memref<64x128xf32, #tpu.memory_space<hbm>>
      %dma_start3A_27 = arith.constant 0 : i32
      %dma_start3A_28 = tpu.memref_slice %arg11[%mul3A_22, %dma_start3A_27] : memref<1024x128xf32, #tpu.memory_space<vmem_shared>> -> memref<64x128xf32, #tpu.memory_space<vmem_shared>>
      tpu.enqueue_dma source(%dma_start3A_28 : memref<64x128xf32, #tpu.memory_space<vmem_shared>>) target(%dma_start3A_26 : memref<64x128xf32, #tpu.memory_space<hbm>>) target_semaphore(%run_scoped3A : memref<!tpu.dma_semaphore, #tpu.memory_space<semaphore_mem>>)
      %dma_wait3A = arith.constant 0 : i32
      %dma_wait3A_29 = tpu.memref_slice %arg9[%arg0, %mul3A_24, %dma_wait3A] : memref<2x1024x128xf32, #tpu.memory_space<hbm>> -> memref<1x64x128xf32, #tpu.memory_space<hbm>>
      %dma_wait3A_30 = tpu.memref_squeeze %dma_wait3A_29 : memref<1x64x128xf32, #tpu.memory_space<hbm>> -> memref<64x128xf32, #tpu.memory_space<hbm>>
      %dma_wait3A_31 = arith.constant 0 : i32
      %dma_wait3A_32 = tpu.memref_slice %arg11[%mul3A_22, %dma_wait3A_31] : memref<1024x128xf32, #tpu.memory_space<vmem_shared>> -> memref<64x128xf32, #tpu.memory_space<vmem_shared>>
      tpu.wait_dma2 semaphore(%run_scoped3A : memref<!tpu.dma_semaphore, #tpu.memory_space<semaphore_mem>>) src(%dma_wait3A_32 : memref<64x128xf32, #tpu.memory_space<vmem_shared>>) dst(%dma_wait3A_30 : memref<64x128xf32, #tpu.memory_space<hbm>>)
      tpu.yield
    }) : () -> ()
    return
  }
}

module attributes {stable_mosaic.version = 14 : i64} {
  func.func @_init_body(%arg0: memref<10000x128xf32, #tpu.memory_space<vmem>>, %arg1: memref<1024x128xf32, #tpu.memory_space<vmem>>, %arg2: memref<128x128xf32, #tpu.memory_space<vmem>>, %arg3: memref<10000x128xf32, #tpu.memory_space<vmem>>, %arg4: memref<1024x128xf32, #tpu.memory_space<vmem>>) attributes {dimension_semantics = [], scalar_prefetch = 0 : i64, scratch_operands = 0 : i64, tpu.core_type = #tpu.core_type<tc>} {
    %get3A = arith.constant 0 : index
    %get3A_0 = arith.constant 0 : index
    %get3A_1 = vector.load %arg2[%get3A, %get3A_0] : memref<128x128xf32, #tpu.memory_space<vmem>>, vector<128x128xf32>
    %get3A_2 = arith.constant 0 : index
    %get3A_3 = arith.constant 0 : index
    %get3A_4 = vector.load %arg0[%get3A_2, %get3A_3] : memref<10000x128xf32, #tpu.memory_space<vmem>>, vector<10000x128xf32>
    %dot_general3A = arith.constant dense<0.000000e+00> : vector<10000x128xf32>
    %dot_general3A_5 = tpu.matmul %get3A_4, %get3A_1, %dot_general3A {dimension_numbers = #tpu.dot_dimension_numbers<[1], [0], [0], [1], [0, 0, 1, 1], [], []>, transpose_lhs_hint = false} : vector<10000x128xf32>, vector<128x128xf32>, vector<10000x128xf32> -> vector<10000x128xf32>
    %max3A = arith.constant 0.000000e+00 : f32
    %max3A_6 = vector.broadcast %max3A : f32 to vector<10000x128xf32>
    %max3A_7 = arith.maximumf %dot_general3A_5, %max3A_6 : vector<10000x128xf32>
    %mul3A = arith.mulf %max3A_7, %max3A_7 : vector<10000x128xf32>
    %reduce_sum3A = arith.constant dense<0.000000e+00> : vector<10000xf32>
    %reduce_sum3A_8 = vector.multi_reduction <add>, %mul3A, %reduce_sum3A [1] : vector<10000x128xf32> to vector<10000xf32>
    %broadcast_in_dim3A = vector.shape_cast %reduce_sum3A_8 : vector<10000xf32> to vector<10000x1xf32>
    %sqrt3A = math.sqrt %broadcast_in_dim3A : vector<10000x1xf32>
    %max3A_9 = arith.constant 9.99999996E-13 : f32
    %max3A_10 = vector.broadcast %max3A_9 : f32 to vector<10000x1xf32>
    %max3A_11 = arith.maximumf %sqrt3A, %max3A_10 : vector<10000x1xf32>
    %div3A = vector.broadcast %max3A_11 : vector<10000x1xf32> to vector<10000x128xf32>
    %div3A_12 = arith.divf %max3A_7, %div3A : vector<10000x128xf32>
    %swap3A = arith.constant 0 : index
    %swap3A_13 = arith.constant 0 : index
    %swap3A_14 = vector.load %arg3[%swap3A, %swap3A_13] : memref<10000x128xf32, #tpu.memory_space<vmem>>, vector<10000x128xf32>
    tpu.vector_store %arg3[%swap3A, %swap3A_13], %div3A_12 {strides = array<i32>} : memref<10000x128xf32, #tpu.memory_space<vmem>>, vector<10000x128xf32>,
    %get3A_15 = arith.constant 0 : index
    %get3A_16 = arith.constant 0 : index
    %get3A_17 = vector.load %arg1[%get3A_15, %get3A_16] : memref<1024x128xf32, #tpu.memory_space<vmem>>, vector<1024x128xf32>
    %dot_general3A_18 = arith.constant dense<0.000000e+00> : vector<1024x128xf32>
    %dot_general3A_19 = tpu.matmul %get3A_17, %get3A_1, %dot_general3A_18 {dimension_numbers = #tpu.dot_dimension_numbers<[1], [0], [0], [1], [0, 0, 1, 1], [], []>, transpose_lhs_hint = false} : vector<1024x128xf32>, vector<128x128xf32>, vector<1024x128xf32> -> vector<1024x128xf32>
    %max3A_20 = arith.constant 0.000000e+00 : f32
    %max3A_21 = vector.broadcast %max3A_20 : f32 to vector<1024x128xf32>
    %max3A_22 = arith.maximumf %dot_general3A_19, %max3A_21 : vector<1024x128xf32>
    %mul3A_23 = arith.mulf %max3A_22, %max3A_22 : vector<1024x128xf32>
    %reduce_sum3A_24 = arith.constant dense<0.000000e+00> : vector<1024xf32>
    %reduce_sum3A_25 = vector.multi_reduction <add>, %mul3A_23, %reduce_sum3A_24 [1] : vector<1024x128xf32> to vector<1024xf32>
    %broadcast_in_dim3A_26 = vector.shape_cast %reduce_sum3A_25 : vector<1024xf32> to vector<1024x1xf32>
    %sqrt3A_27 = math.sqrt %broadcast_in_dim3A_26 : vector<1024x1xf32>
    %max3A_28 = arith.constant 9.99999996E-13 : f32
    %max3A_29 = vector.broadcast %max3A_28 : f32 to vector<1024x1xf32>
    %max3A_30 = arith.maximumf %sqrt3A_27, %max3A_29 : vector<1024x1xf32>
    %div3A_31 = vector.broadcast %max3A_30 : vector<1024x1xf32> to vector<1024x128xf32>
    %div3A_32 = arith.divf %max3A_22, %div3A_31 : vector<1024x128xf32>
    %swap3A_33 = arith.constant 0 : index
    %swap3A_34 = arith.constant 0 : index
    %swap3A_35 = vector.load %arg4[%swap3A_33, %swap3A_34] : memref<1024x128xf32, #tpu.memory_space<vmem>>, vector<1024x128xf32>
    tpu.vector_store %arg4[%swap3A_33, %swap3A_34], %div3A_32 {strides = array<i32>} : memref<1024x128xf32, #tpu.memory_space<vmem>>, vector<1024x128xf32>,
    return
  }
}

module attributes {stable_mosaic.version = 14 : i64} {
  func.func @_layer_node_body(%arg0: i32, %arg1: memref<1000x128xf32, #tpu.memory_space<vmem>>, %arg2: memref<2x1000x128xf32, #tpu.memory_space<vmem>>, %arg3: memref<128x128xf32, #tpu.memory_space<vmem>>, %arg4: memref<128x128xf32, #tpu.memory_space<vmem>>, %arg5: memref<128x128xf32, #tpu.memory_space<vmem>>, %arg6: memref<128x128xf32, #tpu.memory_space<vmem>>, %arg7: memref<1x128xf32, #tpu.memory_space<vmem>>, %arg8: memref<1000x128xf32, #tpu.memory_space<vmem>>) attributes {dimension_semantics = [#tpu.dimension_semantics<arbitrary>], iteration_bounds = array<i64: 10>, scalar_prefetch = 0 : i64, scratch_operands = 0 : i64, tpu.core_type = #tpu.core_type<tc>, window_params = [{transform_indices = @transform_0, window_bounds = array<i64: 1000, 128>}, {transform_indices = @transform_1, window_bounds = array<i64: 2, 1000, 128>}, {pipeline_mode = #tpu.pipeline_mode<synchronous>, transform_indices = @transform_2, window_bounds = array<i64: 128, 128>}, {pipeline_mode = #tpu.pipeline_mode<synchronous>, transform_indices = @transform_3, window_bounds = array<i64: 128, 128>}, {pipeline_mode = #tpu.pipeline_mode<synchronous>, transform_indices = @transform_4, window_bounds = array<i64: 128, 128>}, {pipeline_mode = #tpu.pipeline_mode<synchronous>, transform_indices = @transform_5, window_bounds = array<i64: 128, 128>}, {pipeline_mode = #tpu.pipeline_mode<synchronous>, transform_indices = @transform_6, window_bounds = array<i64: 1, 128>}, {transform_indices = @transform_7, window_bounds = array<i64: 1000, 128>}]} {
    %get3A = arith.constant 0 : index
    %get3A_0 = arith.constant 0 : index
    %get3A_1 = arith.constant 0 : index
    %get3A_2 = vector.load %arg2[%get3A, %get3A_0, %get3A_1] : memref<2x1000x128xf32, #tpu.memory_space<vmem>>, vector<1x1000x128xf32>
    %get3A_3 = vector.shape_cast %get3A_2 : vector<1x1000x128xf32> to vector<1000x128xf32>
    %get3A_4 = arith.constant 1 : index
    %get3A_5 = arith.constant 0 : index
    %get3A_6 = arith.constant 0 : index
    %get3A_7 = vector.load %arg2[%get3A_4, %get3A_5, %get3A_6] : memref<2x1000x128xf32, #tpu.memory_space<vmem>>, vector<1x1000x128xf32>
    %get3A_8 = vector.shape_cast %get3A_7 : vector<1x1000x128xf32> to vector<1000x128xf32>
    %add3A = arith.addf %get3A_3, %get3A_8 : vector<1000x128xf32>
    %get3A_9 = arith.constant 0 : index
    %get3A_10 = arith.constant 0 : index
    %get3A_11 = vector.load %arg1[%get3A_9, %get3A_10] : memref<1000x128xf32, #tpu.memory_space<vmem>>, vector<1000x128xf32>
    %get3A_12 = arith.constant 0 : index
    %get3A_13 = arith.constant 0 : index
    %get3A_14 = vector.load %arg3[%get3A_12, %get3A_13] : memref<128x128xf32, #tpu.memory_space<vmem>>, vector<128x128xf32>
    %get3A_15 = arith.constant 0 : index
    %get3A_16 = arith.constant 0 : index
    %get3A_17 = vector.load %arg4[%get3A_15, %get3A_16] : memref<128x128xf32, #tpu.memory_space<vmem>>, vector<128x128xf32>
    %get3A_18 = arith.constant 0 : index
    %get3A_19 = arith.constant 0 : index
    %get3A_20 = vector.load %arg5[%get3A_18, %get3A_19] : memref<128x128xf32, #tpu.memory_space<vmem>>, vector<128x128xf32>
    %get3A_21 = arith.constant 0 : index
    %get3A_22 = arith.constant 0 : index
    %get3A_23 = vector.load %arg6[%get3A_21, %get3A_22] : memref<128x128xf32, #tpu.memory_space<vmem>>, vector<128x128xf32>
    %get3A_24 = arith.constant 0 : index
    %get3A_25 = arith.constant 0 : index
    %get3A_26 = vector.load %arg7[%get3A_24, %get3A_25] : memref<1x128xf32, #tpu.memory_space<vmem>>, vector<1x128xf32>
    %dot_general3A = arith.constant dense<0.000000e+00> : vector<1000x128xf32>
    %dot_general3A_27 = tpu.matmul %get3A_11, %get3A_14, %dot_general3A {dimension_numbers = #tpu.dot_dimension_numbers<[1], [0], [0], [1], [0, 0, 1, 1], [], []>, transpose_lhs_hint = false} : vector<1000x128xf32>, vector<128x128xf32>, vector<1000x128xf32> -> vector<1000x128xf32>
    %dot_general3A_28 = arith.constant dense<0.000000e+00> : vector<1000x128xf32>
    %dot_general3A_29 = tpu.matmul %dot_general3A_27, %get3A_20, %dot_general3A_28 {dimension_numbers = #tpu.dot_dimension_numbers<[1], [1], [0], [0], [0, 0, 1, 0], [], []>, transpose_lhs_hint = false} : vector<1000x128xf32>, vector<128x128xf32>, vector<1000x128xf32> -> vector<1000x128xf32>
    %dot_general3A_30 = arith.constant dense<0.000000e+00> : vector<1000x128xf32>
    %dot_general3A_31 = tpu.matmul %add3A, %get3A_17, %dot_general3A_30 {dimension_numbers = #tpu.dot_dimension_numbers<[1], [0], [0], [1], [0, 0, 1, 1], [], []>, transpose_lhs_hint = false} : vector<1000x128xf32>, vector<128x128xf32>, vector<1000x128xf32> -> vector<1000x128xf32>
    %dot_general3A_32 = arith.constant dense<0.000000e+00> : vector<1000x128xf32>
    %dot_general3A_33 = tpu.matmul %dot_general3A_31, %get3A_23, %dot_general3A_32 {dimension_numbers = #tpu.dot_dimension_numbers<[1], [1], [0], [0], [0, 0, 1, 0], [], []>, transpose_lhs_hint = false} : vector<1000x128xf32>, vector<128x128xf32>, vector<1000x128xf32> -> vector<1000x128xf32>
    %add3A_34 = arith.addf %dot_general3A_29, %dot_general3A_33 : vector<1000x128xf32>
    %add3A_35 = vector.broadcast %get3A_26 : vector<1x128xf32> to vector<1000x128xf32>
    %add3A_36 = arith.addf %add3A_34, %add3A_35 : vector<1000x128xf32>
    %max3A = arith.constant 0.000000e+00 : f32
    %max3A_37 = vector.broadcast %max3A : f32 to vector<1000x128xf32>
    %max3A_38 = arith.maximumf %add3A_36, %max3A_37 : vector<1000x128xf32>
    %mul3A = arith.mulf %max3A_38, %max3A_38 : vector<1000x128xf32>
    %reduce_sum3A = arith.constant dense<0.000000e+00> : vector<1000xf32>
    %reduce_sum3A_39 = vector.multi_reduction <add>, %mul3A, %reduce_sum3A [1] : vector<1000x128xf32> to vector<1000xf32>
    %broadcast_in_dim3A = vector.shape_cast %reduce_sum3A_39 : vector<1000xf32> to vector<1000x1xf32>
    %sqrt3A = math.sqrt %broadcast_in_dim3A : vector<1000x1xf32>
    %max3A_40 = arith.constant 9.99999996E-13 : f32
    %max3A_41 = vector.broadcast %max3A_40 : f32 to vector<1000x1xf32>
    %max3A_42 = arith.maximumf %sqrt3A, %max3A_41 : vector<1000x1xf32>
    %div3A = vector.broadcast %max3A_42 : vector<1000x1xf32> to vector<1000x128xf32>
    %div3A_43 = arith.divf %max3A_38, %div3A : vector<1000x128xf32>
    %swap3A = arith.constant 0 : index
    %swap3A_44 = arith.constant 0 : index
    %swap3A_45 = vector.load %arg8[%swap3A, %swap3A_44] : memref<1000x128xf32, #tpu.memory_space<vmem>>, vector<1000x128xf32>
    tpu.vector_store %arg8[%swap3A, %swap3A_44], %div3A_43 {strides = array<i32>} : memref<1000x128xf32, #tpu.memory_space<vmem>>, vector<1000x128xf32>,
    return
  }
  func.func @transform_0(%arg0: i32) -> (i32, i32) {
    %c0_i32 = arith.constant 0 : i32
    %c0_i32_0 = arith.constant 0 : i32
    return %arg0, %c0_i32 : i32, i32
  }
  func.func @transform_1(%arg0: i32) -> (i32, i32, i32) {
    %c0_i32 = arith.constant 0 : i32
    %c0_i32_0 = arith.constant 0 : i32
    %c0_i32_1 = arith.constant 0 : i32
    return %c0_i32, %arg0, %c0_i32_0 : i32, i32, i32
  }
  func.func @transform_2(%arg0: i32) -> (i32, i32) {
    %c0_i32 = arith.constant 0 : i32
    %c0_i32_0 = arith.constant 0 : i32
    %c0_i32_1 = arith.constant 0 : i32
    return %c0_i32, %c0_i32_0 : i32, i32
  }
  func.func @transform_3(%arg0: i32) -> (i32, i32) {
    %c0_i32 = arith.constant 0 : i32
    %c0_i32_0 = arith.constant 0 : i32
    %c0_i32_1 = arith.constant 0 : i32
    return %c0_i32, %c0_i32_0 : i32, i32
  }
  func.func @transform_4(%arg0: i32) -> (i32, i32) {
    %c0_i32 = arith.constant 0 : i32
    %c0_i32_0 = arith.constant 0 : i32
    %c0_i32_1 = arith.constant 0 : i32
    return %c0_i32, %c0_i32_0 : i32, i32
  }
  func.func @transform_5(%arg0: i32) -> (i32, i32) {
    %c0_i32 = arith.constant 0 : i32
    %c0_i32_0 = arith.constant 0 : i32
    %c0_i32_1 = arith.constant 0 : i32
    return %c0_i32, %c0_i32_0 : i32, i32
  }
  func.func @transform_6(%arg0: i32) -> (i32, i32) {
    %c0_i32 = arith.constant 0 : i32
    %c0_i32_0 = arith.constant 0 : i32
    %c0_i32_1 = arith.constant 0 : i32
    return %c0_i32, %c0_i32_0 : i32, i32
  }
  func.func @transform_7(%arg0: i32) -> (i32, i32) {
    %c0_i32 = arith.constant 0 : i32
    %c0_i32_0 = arith.constant 0 : i32
    return %arg0, %c0_i32 : i32, i32
  }
}

module attributes {stable_mosaic.version = 14 : i64} {
  func.func @_layer_batch_body(%arg0: memref<1024x128xf32, #tpu.memory_space<vmem>>, %arg1: memref<2x1024x128xf32, #tpu.memory_space<vmem>>, %arg2: memref<128x128xf32, #tpu.memory_space<vmem>>, %arg3: memref<128x128xf32, #tpu.memory_space<vmem>>, %arg4: memref<128x128xf32, #tpu.memory_space<vmem>>, %arg5: memref<128x128xf32, #tpu.memory_space<vmem>>, %arg6: memref<1x128xf32, #tpu.memory_space<vmem>>, %arg7: memref<1024x128xf32, #tpu.memory_space<vmem>>) attributes {dimension_semantics = [], scalar_prefetch = 0 : i64, scratch_operands = 0 : i64, tpu.core_type = #tpu.core_type<tc>} {
    %get3A = arith.constant 0 : index
    %get3A_0 = arith.constant 0 : index
    %get3A_1 = arith.constant 0 : index
    %get3A_2 = vector.load %arg1[%get3A, %get3A_0, %get3A_1] : memref<2x1024x128xf32, #tpu.memory_space<vmem>>, vector<1x1024x128xf32>
    %get3A_3 = vector.shape_cast %get3A_2 : vector<1x1024x128xf32> to vector<1024x128xf32>
    %get3A_4 = arith.constant 1 : index
    %get3A_5 = arith.constant 0 : index
    %get3A_6 = arith.constant 0 : index
    %get3A_7 = vector.load %arg1[%get3A_4, %get3A_5, %get3A_6] : memref<2x1024x128xf32, #tpu.memory_space<vmem>>, vector<1x1024x128xf32>
    %get3A_8 = vector.shape_cast %get3A_7 : vector<1x1024x128xf32> to vector<1024x128xf32>
    %add3A = arith.addf %get3A_3, %get3A_8 : vector<1024x128xf32>
    %get3A_9 = arith.constant 0 : index
    %get3A_10 = arith.constant 0 : index
    %get3A_11 = vector.load %arg0[%get3A_9, %get3A_10] : memref<1024x128xf32, #tpu.memory_space<vmem>>, vector<1024x128xf32>
    %get3A_12 = arith.constant 0 : index
    %get3A_13 = arith.constant 0 : index
    %get3A_14 = vector.load %arg2[%get3A_12, %get3A_13] : memref<128x128xf32, #tpu.memory_space<vmem>>, vector<128x128xf32>
    %get3A_15 = arith.constant 0 : index
    %get3A_16 = arith.constant 0 : index
    %get3A_17 = vector.load %arg3[%get3A_15, %get3A_16] : memref<128x128xf32, #tpu.memory_space<vmem>>, vector<128x128xf32>
    %get3A_18 = arith.constant 0 : index
    %get3A_19 = arith.constant 0 : index
    %get3A_20 = vector.load %arg4[%get3A_18, %get3A_19] : memref<128x128xf32, #tpu.memory_space<vmem>>, vector<128x128xf32>
    %get3A_21 = arith.constant 0 : index
    %get3A_22 = arith.constant 0 : index
    %get3A_23 = vector.load %arg5[%get3A_21, %get3A_22] : memref<128x128xf32, #tpu.memory_space<vmem>>, vector<128x128xf32>
    %get3A_24 = arith.constant 0 : index
    %get3A_25 = arith.constant 0 : index
    %get3A_26 = vector.load %arg6[%get3A_24, %get3A_25] : memref<1x128xf32, #tpu.memory_space<vmem>>, vector<1x128xf32>
    %dot_general3A = arith.constant dense<0.000000e+00> : vector<1024x128xf32>
    %dot_general3A_27 = tpu.matmul %get3A_11, %get3A_14, %dot_general3A {dimension_numbers = #tpu.dot_dimension_numbers<[1], [0], [0], [1], [0, 0, 1, 1], [], []>, transpose_lhs_hint = false} : vector<1024x128xf32>, vector<128x128xf32>, vector<1024x128xf32> -> vector<1024x128xf32>
    %dot_general3A_28 = arith.constant dense<0.000000e+00> : vector<1024x128xf32>
    %dot_general3A_29 = tpu.matmul %dot_general3A_27, %get3A_20, %dot_general3A_28 {dimension_numbers = #tpu.dot_dimension_numbers<[1], [1], [0], [0], [0, 0, 1, 0], [], []>, transpose_lhs_hint = false} : vector<1024x128xf32>, vector<128x128xf32>, vector<1024x128xf32> -> vector<1024x128xf32>
    %dot_general3A_30 = arith.constant dense<0.000000e+00> : vector<1024x128xf32>
    %dot_general3A_31 = tpu.matmul %add3A, %get3A_17, %dot_general3A_30 {dimension_numbers = #tpu.dot_dimension_numbers<[1], [0], [0], [1], [0, 0, 1, 1], [], []>, transpose_lhs_hint = false} : vector<1024x128xf32>, vector<128x128xf32>, vector<1024x128xf32> -> vector<1024x128xf32>
    %dot_general3A_32 = arith.constant dense<0.000000e+00> : vector<1024x128xf32>
    %dot_general3A_33 = tpu.matmul %dot_general3A_31, %get3A_23, %dot_general3A_32 {dimension_numbers = #tpu.dot_dimension_numbers<[1], [1], [0], [0], [0, 0, 1, 0], [], []>, transpose_lhs_hint = false} : vector<1024x128xf32>, vector<128x128xf32>, vector<1024x128xf32> -> vector<1024x128xf32>
    %add3A_34 = arith.addf %dot_general3A_29, %dot_general3A_33 : vector<1024x128xf32>
    %add3A_35 = vector.broadcast %get3A_26 : vector<1x128xf32> to vector<1024x128xf32>
    %add3A_36 = arith.addf %add3A_34, %add3A_35 : vector<1024x128xf32>
    %max3A = arith.constant 0.000000e+00 : f32
    %max3A_37 = vector.broadcast %max3A : f32 to vector<1024x128xf32>
    %max3A_38 = arith.maximumf %add3A_36, %max3A_37 : vector<1024x128xf32>
    %mul3A = arith.mulf %max3A_38, %max3A_38 : vector<1024x128xf32>
    %reduce_sum3A = arith.constant dense<0.000000e+00> : vector<1024xf32>
    %reduce_sum3A_39 = vector.multi_reduction <add>, %mul3A, %reduce_sum3A [1] : vector<1024x128xf32> to vector<1024xf32>
    %broadcast_in_dim3A = vector.shape_cast %reduce_sum3A_39 : vector<1024xf32> to vector<1024x1xf32>
    %sqrt3A = math.sqrt %broadcast_in_dim3A : vector<1024x1xf32>
    %max3A_40 = arith.constant 9.99999996E-13 : f32
    %max3A_41 = vector.broadcast %max3A_40 : f32 to vector<1024x1xf32>
    %max3A_42 = arith.maximumf %sqrt3A, %max3A_41 : vector<1024x1xf32>
    %div3A = vector.broadcast %max3A_42 : vector<1024x1xf32> to vector<1024x128xf32>
    %div3A_43 = arith.divf %max3A_38, %div3A : vector<1024x128xf32>
    %swap3A = arith.constant 0 : index
    %swap3A_44 = arith.constant 0 : index
    %swap3A_45 = vector.load %arg7[%swap3A, %swap3A_44] : memref<1024x128xf32, #tpu.memory_space<vmem>>, vector<1024x128xf32>
    tpu.vector_store %arg7[%swap3A, %swap3A_44], %div3A_43 {strides = array<i32>} : memref<1024x128xf32, #tpu.memory_space<vmem>>, vector<1024x128xf32>,
    return
  }
}

module attributes {stable_mosaic.version = 14 : i64} {
  func.func @_layer_node_body(%arg0: i32, %arg1: memref<1000x128xf32, #tpu.memory_space<vmem>>, %arg2: memref<2x1000x128xf32, #tpu.memory_space<vmem>>, %arg3: memref<128x128xf32, #tpu.memory_space<vmem>>, %arg4: memref<128x128xf32, #tpu.memory_space<vmem>>, %arg5: memref<128x128xf32, #tpu.memory_space<vmem>>, %arg6: memref<128x128xf32, #tpu.memory_space<vmem>>, %arg7: memref<1x128xf32, #tpu.memory_space<vmem>>, %arg8: memref<1000x128xf32, #tpu.memory_space<vmem>>) attributes {dimension_semantics = [#tpu.dimension_semantics<arbitrary>], iteration_bounds = array<i64: 10>, scalar_prefetch = 0 : i64, scratch_operands = 0 : i64, tpu.core_type = #tpu.core_type<tc>, window_params = [{transform_indices = @transform_0, window_bounds = array<i64: 1000, 128>}, {transform_indices = @transform_1, window_bounds = array<i64: 2, 1000, 128>}, {pipeline_mode = #tpu.pipeline_mode<synchronous>, transform_indices = @transform_2, window_bounds = array<i64: 128, 128>}, {pipeline_mode = #tpu.pipeline_mode<synchronous>, transform_indices = @transform_3, window_bounds = array<i64: 128, 128>}, {pipeline_mode = #tpu.pipeline_mode<synchronous>, transform_indices = @transform_4, window_bounds = array<i64: 128, 128>}, {pipeline_mode = #tpu.pipeline_mode<synchronous>, transform_indices = @transform_5, window_bounds = array<i64: 128, 128>}, {pipeline_mode = #tpu.pipeline_mode<synchronous>, transform_indices = @transform_6, window_bounds = array<i64: 1, 128>}, {transform_indices = @transform_7, window_bounds = array<i64: 1000, 128>}]} {
    %get3A = arith.constant 0 : index
    %get3A_0 = arith.constant 0 : index
    %get3A_1 = arith.constant 0 : index
    %get3A_2 = vector.load %arg2[%get3A, %get3A_0, %get3A_1] : memref<2x1000x128xf32, #tpu.memory_space<vmem>>, vector<1x1000x128xf32>
    %get3A_3 = vector.shape_cast %get3A_2 : vector<1x1000x128xf32> to vector<1000x128xf32>
    %get3A_4 = arith.constant 1 : index
    %get3A_5 = arith.constant 0 : index
    %get3A_6 = arith.constant 0 : index
    %get3A_7 = vector.load %arg2[%get3A_4, %get3A_5, %get3A_6] : memref<2x1000x128xf32, #tpu.memory_space<vmem>>, vector<1x1000x128xf32>
    %get3A_8 = vector.shape_cast %get3A_7 : vector<1x1000x128xf32> to vector<1000x128xf32>
    %add3A = arith.addf %get3A_3, %get3A_8 : vector<1000x128xf32>
    %get3A_9 = arith.constant 0 : index
    %get3A_10 = arith.constant 0 : index
    %get3A_11 = vector.load %arg1[%get3A_9, %get3A_10] : memref<1000x128xf32, #tpu.memory_space<vmem>>, vector<1000x128xf32>
    %get3A_12 = arith.constant 0 : index
    %get3A_13 = arith.constant 0 : index
    %get3A_14 = vector.load %arg3[%get3A_12, %get3A_13] : memref<128x128xf32, #tpu.memory_space<vmem>>, vector<128x128xf32>
    %get3A_15 = arith.constant 0 : index
    %get3A_16 = arith.constant 0 : index
    %get3A_17 = vector.load %arg4[%get3A_15, %get3A_16] : memref<128x128xf32, #tpu.memory_space<vmem>>, vector<128x128xf32>
    %get3A_18 = arith.constant 0 : index
    %get3A_19 = arith.constant 0 : index
    %get3A_20 = vector.load %arg5[%get3A_18, %get3A_19] : memref<128x128xf32, #tpu.memory_space<vmem>>, vector<128x128xf32>
    %get3A_21 = arith.constant 0 : index
    %get3A_22 = arith.constant 0 : index
    %get3A_23 = vector.load %arg6[%get3A_21, %get3A_22] : memref<128x128xf32, #tpu.memory_space<vmem>>, vector<128x128xf32>
    %get3A_24 = arith.constant 0 : index
    %get3A_25 = arith.constant 0 : index
    %get3A_26 = vector.load %arg7[%get3A_24, %get3A_25] : memref<1x128xf32, #tpu.memory_space<vmem>>, vector<1x128xf32>
    %dot_general3A = arith.constant dense<0.000000e+00> : vector<1000x128xf32>
    %dot_general3A_27 = tpu.matmul %get3A_11, %get3A_14, %dot_general3A {dimension_numbers = #tpu.dot_dimension_numbers<[1], [0], [0], [1], [0, 0, 1, 1], [], []>, transpose_lhs_hint = false} : vector<1000x128xf32>, vector<128x128xf32>, vector<1000x128xf32> -> vector<1000x128xf32>
    %dot_general3A_28 = arith.constant dense<0.000000e+00> : vector<1000x128xf32>
    %dot_general3A_29 = tpu.matmul %dot_general3A_27, %get3A_20, %dot_general3A_28 {dimension_numbers = #tpu.dot_dimension_numbers<[1], [1], [0], [0], [0, 0, 1, 0], [], []>, transpose_lhs_hint = false} : vector<1000x128xf32>, vector<128x128xf32>, vector<1000x128xf32> -> vector<1000x128xf32>
    %dot_general3A_30 = arith.constant dense<0.000000e+00> : vector<1000x128xf32>
    %dot_general3A_31 = tpu.matmul %add3A, %get3A_17, %dot_general3A_30 {dimension_numbers = #tpu.dot_dimension_numbers<[1], [0], [0], [1], [0, 0, 1, 1], [], []>, transpose_lhs_hint = false} : vector<1000x128xf32>, vector<128x128xf32>, vector<1000x128xf32> -> vector<1000x128xf32>
    %dot_general3A_32 = arith.constant dense<0.000000e+00> : vector<1000x128xf32>
    %dot_general3A_33 = tpu.matmul %dot_general3A_31, %get3A_23, %dot_general3A_32 {dimension_numbers = #tpu.dot_dimension_numbers<[1], [1], [0], [0], [0, 0, 1, 0], [], []>, transpose_lhs_hint = false} : vector<1000x128xf32>, vector<128x128xf32>, vector<1000x128xf32> -> vector<1000x128xf32>
    %add3A_34 = arith.addf %dot_general3A_29, %dot_general3A_33 : vector<1000x128xf32>
    %add3A_35 = vector.broadcast %get3A_26 : vector<1x128xf32> to vector<1000x128xf32>
    %add3A_36 = arith.addf %add3A_34, %add3A_35 : vector<1000x128xf32>
    %max3A = arith.constant 0.000000e+00 : f32
    %max3A_37 = vector.broadcast %max3A : f32 to vector<1000x128xf32>
    %max3A_38 = arith.maximumf %add3A_36, %max3A_37 : vector<1000x128xf32>
    %mul3A = arith.mulf %max3A_38, %max3A_38 : vector<1000x128xf32>
    %reduce_sum3A = arith.constant dense<0.000000e+00> : vector<1000xf32>
    %reduce_sum3A_39 = vector.multi_reduction <add>, %mul3A, %reduce_sum3A [1] : vector<1000x128xf32> to vector<1000xf32>
    %broadcast_in_dim3A = vector.shape_cast %reduce_sum3A_39 : vector<1000xf32> to vector<1000x1xf32>
    %sqrt3A = math.sqrt %broadcast_in_dim3A : vector<1000x1xf32>
    %max3A_40 = arith.constant 9.99999996E-13 : f32
    %max3A_41 = vector.broadcast %max3A_40 : f32 to vector<1000x1xf32>
    %max3A_42 = arith.maximumf %sqrt3A, %max3A_41 : vector<1000x1xf32>
    %div3A = vector.broadcast %max3A_42 : vector<1000x1xf32> to vector<1000x128xf32>
    %div3A_43 = arith.divf %max3A_38, %div3A : vector<1000x128xf32>
    %swap3A = arith.constant 0 : index
    %swap3A_44 = arith.constant 0 : index
    %swap3A_45 = vector.load %arg8[%swap3A, %swap3A_44] : memref<1000x128xf32, #tpu.memory_space<vmem>>, vector<1000x128xf32>
    tpu.vector_store %arg8[%swap3A, %swap3A_44], %div3A_43 {strides = array<i32>} : memref<1000x128xf32, #tpu.memory_space<vmem>>, vector<1000x128xf32>,
    return
  }
  func.func @transform_0(%arg0: i32) -> (i32, i32) {
    %c0_i32 = arith.constant 0 : i32
    %c0_i32_0 = arith.constant 0 : i32
    return %arg0, %c0_i32 : i32, i32
  }
  func.func @transform_1(%arg0: i32) -> (i32, i32, i32) {
    %c0_i32 = arith.constant 0 : i32
    %c0_i32_0 = arith.constant 0 : i32
    %c0_i32_1 = arith.constant 0 : i32
    return %c0_i32, %arg0, %c0_i32_0 : i32, i32, i32
  }
  func.func @transform_2(%arg0: i32) -> (i32, i32) {
    %c0_i32 = arith.constant 0 : i32
    %c0_i32_0 = arith.constant 0 : i32
    %c0_i32_1 = arith.constant 0 : i32
    return %c0_i32, %c0_i32_0 : i32, i32
  }
  func.func @transform_3(%arg0: i32) -> (i32, i32) {
    %c0_i32 = arith.constant 0 : i32
    %c0_i32_0 = arith.constant 0 : i32
    %c0_i32_1 = arith.constant 0 : i32
    return %c0_i32, %c0_i32_0 : i32, i32
  }
  func.func @transform_4(%arg0: i32) -> (i32, i32) {
    %c0_i32 = arith.constant 0 : i32
    %c0_i32_0 = arith.constant 0 : i32
    %c0_i32_1 = arith.constant 0 : i32
    return %c0_i32, %c0_i32_0 : i32, i32
  }
  func.func @transform_5(%arg0: i32) -> (i32, i32) {
    %c0_i32 = arith.constant 0 : i32
    %c0_i32_0 = arith.constant 0 : i32
    %c0_i32_1 = arith.constant 0 : i32
    return %c0_i32, %c0_i32_0 : i32, i32
  }
  func.func @transform_6(%arg0: i32) -> (i32, i32) {
    %c0_i32 = arith.constant 0 : i32
    %c0_i32_0 = arith.constant 0 : i32
    %c0_i32_1 = arith.constant 0 : i32
    return %c0_i32, %c0_i32_0 : i32, i32
  }
  func.func @transform_7(%arg0: i32) -> (i32, i32) {
    %c0_i32 = arith.constant 0 : i32
    %c0_i32_0 = arith.constant 0 : i32
    return %arg0, %c0_i32 : i32, i32
  }
}

module attributes {stable_mosaic.version = 14 : i64} {
  func.func @_layer_batch_body(%arg0: memref<1024x128xf32, #tpu.memory_space<vmem>>, %arg1: memref<2x1024x128xf32, #tpu.memory_space<vmem>>, %arg2: memref<128x128xf32, #tpu.memory_space<vmem>>, %arg3: memref<128x128xf32, #tpu.memory_space<vmem>>, %arg4: memref<128x128xf32, #tpu.memory_space<vmem>>, %arg5: memref<128x128xf32, #tpu.memory_space<vmem>>, %arg6: memref<1x128xf32, #tpu.memory_space<vmem>>, %arg7: memref<1024x128xf32, #tpu.memory_space<vmem>>) attributes {dimension_semantics = [], scalar_prefetch = 0 : i64, scratch_operands = 0 : i64, tpu.core_type = #tpu.core_type<tc>} {
    %get3A = arith.constant 0 : index
    %get3A_0 = arith.constant 0 : index
    %get3A_1 = arith.constant 0 : index
    %get3A_2 = vector.load %arg1[%get3A, %get3A_0, %get3A_1] : memref<2x1024x128xf32, #tpu.memory_space<vmem>>, vector<1x1024x128xf32>
    %get3A_3 = vector.shape_cast %get3A_2 : vector<1x1024x128xf32> to vector<1024x128xf32>
    %get3A_4 = arith.constant 1 : index
    %get3A_5 = arith.constant 0 : index
    %get3A_6 = arith.constant 0 : index
    %get3A_7 = vector.load %arg1[%get3A_4, %get3A_5, %get3A_6] : memref<2x1024x128xf32, #tpu.memory_space<vmem>>, vector<1x1024x128xf32>
    %get3A_8 = vector.shape_cast %get3A_7 : vector<1x1024x128xf32> to vector<1024x128xf32>
    %add3A = arith.addf %get3A_3, %get3A_8 : vector<1024x128xf32>
    %get3A_9 = arith.constant 0 : index
    %get3A_10 = arith.constant 0 : index
    %get3A_11 = vector.load %arg0[%get3A_9, %get3A_10] : memref<1024x128xf32, #tpu.memory_space<vmem>>, vector<1024x128xf32>
    %get3A_12 = arith.constant 0 : index
    %get3A_13 = arith.constant 0 : index
    %get3A_14 = vector.load %arg2[%get3A_12, %get3A_13] : memref<128x128xf32, #tpu.memory_space<vmem>>, vector<128x128xf32>
    %get3A_15 = arith.constant 0 : index
    %get3A_16 = arith.constant 0 : index
    %get3A_17 = vector.load %arg3[%get3A_15, %get3A_16] : memref<128x128xf32, #tpu.memory_space<vmem>>, vector<128x128xf32>
    %get3A_18 = arith.constant 0 : index
    %get3A_19 = arith.constant 0 : index
    %get3A_20 = vector.load %arg4[%get3A_18, %get3A_19] : memref<128x128xf32, #tpu.memory_space<vmem>>, vector<128x128xf32>
    %get3A_21 = arith.constant 0 : index
    %get3A_22 = arith.constant 0 : index
    %get3A_23 = vector.load %arg5[%get3A_21, %get3A_22] : memref<128x128xf32, #tpu.memory_space<vmem>>, vector<128x128xf32>
    %get3A_24 = arith.constant 0 : index
    %get3A_25 = arith.constant 0 : index
    %get3A_26 = vector.load %arg6[%get3A_24, %get3A_25] : memref<1x128xf32, #tpu.memory_space<vmem>>, vector<1x128xf32>
    %dot_general3A = arith.constant dense<0.000000e+00> : vector<1024x128xf32>
    %dot_general3A_27 = tpu.matmul %get3A_11, %get3A_14, %dot_general3A {dimension_numbers = #tpu.dot_dimension_numbers<[1], [0], [0], [1], [0, 0, 1, 1], [], []>, transpose_lhs_hint = false} : vector<1024x128xf32>, vector<128x128xf32>, vector<1024x128xf32> -> vector<1024x128xf32>
    %dot_general3A_28 = arith.constant dense<0.000000e+00> : vector<1024x128xf32>
    %dot_general3A_29 = tpu.matmul %dot_general3A_27, %get3A_20, %dot_general3A_28 {dimension_numbers = #tpu.dot_dimension_numbers<[1], [1], [0], [0], [0, 0, 1, 0], [], []>, transpose_lhs_hint = false} : vector<1024x128xf32>, vector<128x128xf32>, vector<1024x128xf32> -> vector<1024x128xf32>
    %dot_general3A_30 = arith.constant dense<0.000000e+00> : vector<1024x128xf32>
    %dot_general3A_31 = tpu.matmul %add3A, %get3A_17, %dot_general3A_30 {dimension_numbers = #tpu.dot_dimension_numbers<[1], [0], [0], [1], [0, 0, 1, 1], [], []>, transpose_lhs_hint = false} : vector<1024x128xf32>, vector<128x128xf32>, vector<1024x128xf32> -> vector<1024x128xf32>
    %dot_general3A_32 = arith.constant dense<0.000000e+00> : vector<1024x128xf32>
    %dot_general3A_33 = tpu.matmul %dot_general3A_31, %get3A_23, %dot_general3A_32 {dimension_numbers = #tpu.dot_dimension_numbers<[1], [1], [0], [0], [0, 0, 1, 0], [], []>, transpose_lhs_hint = false} : vector<1024x128xf32>, vector<128x128xf32>, vector<1024x128xf32> -> vector<1024x128xf32>
    %add3A_34 = arith.addf %dot_general3A_29, %dot_general3A_33 : vector<1024x128xf32>
    %add3A_35 = vector.broadcast %get3A_26 : vector<1x128xf32> to vector<1024x128xf32>
    %add3A_36 = arith.addf %add3A_34, %add3A_35 : vector<1024x128xf32>
    %max3A = arith.constant 0.000000e+00 : f32
    %max3A_37 = vector.broadcast %max3A : f32 to vector<1024x128xf32>
    %max3A_38 = arith.maximumf %add3A_36, %max3A_37 : vector<1024x128xf32>
    %mul3A = arith.mulf %max3A_38, %max3A_38 : vector<1024x128xf32>
    %reduce_sum3A = arith.constant dense<0.000000e+00> : vector<1024xf32>
    %reduce_sum3A_39 = vector.multi_reduction <add>, %mul3A, %reduce_sum3A [1] : vector<1024x128xf32> to vector<1024xf32>
    %broadcast_in_dim3A = vector.shape_cast %reduce_sum3A_39 : vector<1024xf32> to vector<1024x1xf32>
    %sqrt3A = math.sqrt %broadcast_in_dim3A : vector<1024x1xf32>
    %max3A_40 = arith.constant 9.99999996E-13 : f32
    %max3A_41 = vector.broadcast %max3A_40 : f32 to vector<1024x1xf32>
    %max3A_42 = arith.maximumf %sqrt3A, %max3A_41 : vector<1024x1xf32>
    %div3A = vector.broadcast %max3A_42 : vector<1024x1xf32> to vector<1024x128xf32>
    %div3A_43 = arith.divf %max3A_38, %div3A : vector<1024x128xf32>
    %swap3A = arith.constant 0 : index
    %swap3A_44 = arith.constant 0 : index
    %swap3A_45 = vector.load %arg7[%swap3A, %swap3A_44] : memref<1024x128xf32, #tpu.memory_space<vmem>>, vector<1024x128xf32>
    tpu.vector_store %arg7[%swap3A, %swap3A_44], %div3A_43 {strides = array<i32>} : memref<1024x128xf32, #tpu.memory_space<vmem>>, vector<1024x128xf32>,
    return
  }
}

</mosaic_0001>

<sc_bundles>
// kernel: kernel.12.cloned.1.call-start
scs
__scs_entry_jumppad:
0x0: {  	(pc) =	sbr.rel $0x88, $3  }
0x1: {  	(tag) =	ssettag $0x0;
	lr =	simm.s32 $0x1  }
0x2: {  	[smem:$0x3F97] =	sst lr;
	_ =	strace $0xD0000000  }
0x3: {  	_ = 	snop  }
0x4: {  	_ = 	snop  }
0x5: {  	_ = 	snop  }
0x6: {  	_ = 	snop  }
0x7: {  	_ = 	snop  }
__scs_overlays_trampoline_lowered:
0x8: {  	[smem:$0x3FA6] =	sst s0  }
0x9: {  	[smem:$0x3FA7] =	sst s1  }
0xa: {  	[smem:$0x3FA8] =	sst s2  }
0xb: {  	[smem:$0x3FA9] =	sst s3  }
0xc: {  	[smem:$0x3FAA] =	sst s4  }
0xd: {  	[smem:$0x3FAB] =	sst s5  }
0xe: {  	[smem:$0x3FAC] =	sst s6  }
0xf: {  	[smem:$0x3FAD] =	sst s7  }
0x10: {  	[smem:$0x3FAE] =	sst s8  }
0x11: {  	[smem:$0x3FAF] =	sst s9;
	s0 =	simm.s32 @!p0 $0x0  }
0x12: {  	s1 =	sld [smem:$0x3F95];
	s0 =	simm.s32 @p0 $0x1  }
0x13: {  	[smem:$0x3FB0] =	sst s0;
	s0 =	simm.s32 @!p1 $0x0  }
0x14: {  	s2 =	sld [smem:$0x3F94];
	s0 =	simm.s32 @p1 $0x1  }
0x15: {  	[smem:$0x3FB1] =	sst s0;
	s0 =	simm.s32 @!p2 $0x0  }
0x16: {  	s3 =	sld [smem:$0x3FDB];
	s0 =	simm.s32 @p2 $0x1  }
0x17: {  	s4 =	simm.s32 $0x1BF5;
	[smem:$0x3FB3] =	sst s0  }
0x18: {  	s0 =	sld [smem:$0x3F96];
	_ =	swait.ge [sflag:s4], $0x0  }
0x19: {  	s7 =	sld [smem:$0x3F97]  }
0x1a: {  	s8 =	sadd.s32 $0xFFFFE003, lr  }
0x1b: {  	s9 =	sadd.s32 $0xFFFFFEF7, lr;
	s5 =	simm.s32 $0xFFFFFFFF;
	p2 =	slt.u32 s8, $0xFFFFF086  }
0x1c: {  	p1 =	slt.u32 s9, $0xF7A;
	s5 =	simm.s32 @!p2 $0x0  }
0x1d: {  	s5 =	simm.s32 @p1 $0x1;
	p0 =	seq.s32 s7, s2  }
0x1e: {  	s7 =	smul.u32 @!p0 $0xF7A, s2;
	p2 =	seq.s32 @!p0 s5, $0x0  }
0x1f: {  	s9 =	smul.u32 $0xF7A, s1;
	s8 =	simm.s32 @!p0 $0x1BF5;
	p2 =	por !p2, p0  }
0x20: {  	[sflag:s8] =	ssyncset.s32 @!p0 $0xFFFFF086;
	s6 =	sadd.s32 @!p0 s3, s7;
	s7 =	simm.s32 @!p0 $0x108  }
0x21: {  	s3 =	sadd.s32 s3, s9;
	s6 =	sadd.s32 @!p0 $0x88, s6;
	s7 =	simm.s32 @p2 $0x1082  }
0x22: {  	[simem:s7], [sflag:s8] =	dma.local @!p0 [hbm:s6], $0xF7A  }
0x23: {  	s9 =	sor.u32 $0xD0000000, s2;
	s6 =	simm.s32 $0x108;
	_ =	swait.ge @!p0 [sflag:s8], $0x0  }
0x24: {  	s3 =	sadd.s32 $0x88, s3;
	s6 =	simm.s32 @!p1 $0x1082;
	[sflag:s4] =	ssyncset.s32 $0xFFFFF086  }
0x25: {  	[simem:s6], [sflag:s4] =	dma.local [hbm:s3], $0xF7A  }
0x26: {  	[smem:$0x3F97] =	sst s1;
	(tag) =	ssettag s2;
	_ =	strace s9  }
0x27: {  	s1 =	sld [smem:$0x3FA7]  }
0x28: {  	s2 =	sld [smem:$0x3FA8]  }
0x29: {  	s4 =	sld [smem:$0x3FAA]  }
0x2a: {  	p0 =	seq.s32 s5, $0x0;
	s5 =	sld [smem:$0x3FAB]  }
0x2b: {  	s6 =	sld [smem:$0x3FAC]  }
0x2c: {  	s7 =	sld [smem:$0x3FAD]  }
0x2d: {  	s3 =	simm.s32 $0x108;
	s8 =	sld [smem:$0x3FAE]  }
0x2e: {  	s3 =	simm.s32 @!p0 $0x1082;
	s9 =	sld [smem:$0x3FAF]  }
0x2f: {  	lr =	sadd.s32 s0, s3;
	s0 =	sld [smem:$0x3FA6]  }
0x30: {  	s3 =	sld [smem:$0x3FA9]  }
0x31: {  	[smem:$0x3FB2] =	sst s10  }
0x32: {  	s10 =	sld [smem:$0x3FB0];
	_ =	sdelay $0x3  }
0x33: {  	p0 =	seq.s32 s10, $0x1;
	s10 =	sld [smem:$0x3FB2];
	_ =	sdelay $0x3  }
0x34: {  	[smem:$0x3FB2] =	sst s10  }
0x35: {  	s10 =	sld [smem:$0x3FB1];
	_ =	sdelay $0x3  }
0x36: {  	p1 =	seq.s32 s10, $0x1;
	s10 =	sld [smem:$0x3FB2];
	_ =	sdelay $0x3  }
0x37: {  	[smem:$0x3FB2] =	sst s10  }
0x38: {  	s10 =	sld [smem:$0x3FB3]  }
0x39: {  	_ = 	snop;
	(pc) =	sbr.ind lr, $3  }
0x3a: {  	_ = 	snop  }
0x3b: {  	_ = 	snop  }
0x3c: {  	p2 =	seq.s32 s10, $0x1;
	s10 =	sld [smem:$0x3FB2]  }
0x3d: {  	_ =	shalt  }
0x3e: {  	_ =	shalt  }
0x3f: {  	_ =	shalt  }
0x40: {  	_ =	shalt  }
0x41: {  	_ =	shalt  }
0x42: {  	_ =	shalt  }
0x43: {  	_ =	shalt  }
0x44: {  	_ =	shalt  }
0x45: {  	_ =	shalt  }
0x46: {  	_ =	shalt  }
0x47: {  	_ =	shalt  }
0x48: {  	_ =	shalt  }
0x49: {  	_ =	shalt  }
0x4a: {  	_ =	shalt  }
0x4b: {  	_ =	shalt  }
0x4c: {  	_ =	shalt  }
0x4d: {  	_ =	shalt  }
0x4e: {  	_ =	shalt  }
0x4f: {  	_ =	shalt  }
0x50: {  	_ =	shalt  }
0x51: {  	_ =	shalt  }
0x52: {  	_ =	shalt  }
0x53: {  	_ =	shalt  }
0x54: {  	_ =	shalt  }
0x55: {  	_ =	shalt  }
0x56: {  	_ =	shalt  }
0x57: {  	_ =	shalt  }
0x58: {  	_ =	shalt  }
0x59: {  	_ =	shalt  }
0x5a: {  	_ =	shalt  }
0x5b: {  	_ =	shalt  }
0x5c: {  	_ =	shalt  }
0x5d: {  	_ =	shalt  }
0x5e: {  	_ =	shalt  }
0x5f: {  	_ =	shalt  }
0x60: {  	_ =	shalt  }
0x61: {  	_ =	shalt  }
0x62: {  	_ =	shalt  }
0x63: {  	_ =	shalt  }
0x64: {  	_ =	shalt  }
0x65: {  	_ =	shalt  }
0x66: {  	_ =	shalt  }
0x67: {  	_ =	shalt  }
0x68: {  	_ =	shalt  }
0x69: {  	_ =	shalt  }
0x6a: {  	_ =	shalt  }
0x6b: {  	_ =	shalt  }
0x6c: {  	_ =	shalt  }
0x6d: {  	_ =	shalt  }
0x6e: {  	_ =	shalt  }
0x6f: {  	_ =	shalt  }
0x70: {  	_ =	shalt  }
0x71: {  	_ =	shalt  }
0x72: {  	_ =	shalt  }
0x73: {  	_ =	shalt  }
0x74: {  	_ =	shalt  }
0x75: {  	_ =	shalt  }
0x76: {  	_ =	shalt  }
0x77: {  	_ =	shalt  }
0x78: {  	_ =	shalt  }
0x79: {  	_ =	shalt  }
0x7a: {  	_ =	shalt  }
0x7b: {  	_ =	shalt  }
0x7c: {  	_ =	shalt  }
0x7d: {  	_ =	shalt  }
0x7e: {  	_ =	shalt  }
0x7f: {  	_ =	shalt  }
0x80: {  	_ =	shalt  }
0x81: {  	_ =	shalt  }
0x82: {  	_ =	shalt  }
0x83: {  	_ =	shalt  }
0x84: {  	_ =	shalt  }
0x85: {  	_ =	shalt  }
0x86: {  	_ =	shalt  }
0x87: {  	_ =	shalt  }
.Lfunc_end0:
.L_simem_size_0:
called_computation.1_lowered:
.L_overlay_start_0:
0x88: {  	s2 =	sld [smem:$0x3FD9]  }
0x89: {  	s3 =	sld [smem:$0x3FFE];
	_ =	sdelay $0x1  }
0x8a: {  	s1 =	srdreg.scid  }
0x8b: {  	s0 =	sand.u32 $0x1, s1  }
0x8c: {  	s14 =	sshll.u32 s0, $0xA;
	s2 =	sadd.s32 s3, s2  }
0x8d: {  	s2 =	sadd.s32 s2, s14  }
0x8e: {  	[smem:$0x3FBE] =	sst s2  }
0x8f: {  	_ = 	snop  }
0x90: {  	s2 =	sld [smem:$0x3FD0];
	_ =	sdelay $0x1  }
0x91: {  	s15 =	sld [smem:$0x3FC8]  }
0x92: {  	s5 =	simm.s32 $0xA;
	s6 =	simm.s32 $0x10;
	s4 =	sld [smem:$0x3FC7]  }
0x93: {  	[smem:s6], [sflag:s5] =	dma.local [hbm:s2], $0x1  }
0x94: {  	_ =	swait.eq [sflag:s5], $0x1  }
0x95: {  	[sflag:s5] =	ssyncset.done $0x0  }
0x96: {  	s16 =	sld [smem:$0x10];
	[sflag:s5] =	ssyncadd.s32 $0xFFFFFFFF  }
0x97: {  	s17 =	sld [smem:$0x11];
	(tm) =	ssettm $0x1  }
0x98: {  	s18 =	sld [smem:$0x3FFB];
	_ =	sdelay $0x3  }
0x99: {  	_ =	strace s18  }
0x9a: {  	s6 =	sld [smem:$0x3FFC];
	_ =	sdelay $0x3  }
0x9b: {  	_ =	strace s6  }
0x9c: {  	s6 =	sld [smem:$0x3FFD];
	_ =	sdelay $0x3  }
0x9d: {  	_ =	strace s6  }
0x9e: {  	_ =	strace $0x8FFFFFFF  }
0x9f: {  	s19 =	sld [smem:$0x3FDB];
	_ =	sdelay $0x1  }
0xa0: {  	s7 =	simm.s32 $_scs_section_size  }
0xa1: {  	s8 =	simm.s32 $_size__tile_overlayer_lowered;
	s9 =	simm.s32 $_tile_overlayer_lowered  }
0xa2: {  	s22 =	simm.s32 $0x1BFF;
	s21 =	sshll.u32 s9, $0x1;
	s6 =	sadd.s32 s7, s19  }
0xa3: {  	s10 =	simm.s32 $0x0;
	s20 =	sshll.u32 s8, $0x1;
	s8 =	sadd.s32 s21, s6  }
0xa4: {  	[timem:s10], [sflag:s22] =	dma.local [hbm:s8], s20  }
0xa5: {  	_ =	swait.ge [sflag:s22], s20  }
0xa6: {  	s7 =	ssub.s32 $0x0, s20;
	[sflag:s22] =	ssyncset.done $0x0  }
0xa7: {  	[sflag:s22] =	ssyncadd.s32 s7;
	_ =	sdelay $0x1  }
0xa8: {  	s23 =	simm.s32 $0x1B8B  }
0xa9: {  	_ =	swait.ge [sflag:s23], $0x1  }
0xaa: {  	[sflag:s23] =	ssyncset.done $0x0  }
0xab: {  	s25 =	simm.s32 $0x1B8E;
	s24 =	sld [smem:$0x3FFE];
	[sflag:s23] =	ssyncadd.s32 $0xFFFFFFFF  }
0xac: {  	s26 =	simm.s32 $execute0_lowered;
	[smem:$0x3FD2] =	sst s25  }
0xad: {  	s8 =	sshll.u32 s26, $0x1;
	_ =	strace $0x80000049;
	[dreg:$0x1] =	wrdreg $0xFFFFFFFF  }
0xae: {  	s28 =	simm.s32 $_size_execute0_lowered;
	s6 =	sadd.s32 s6, s8;
	[dreg:$0x0] =	wrdreg $0x0  }
0xaf: {  	s8 =	sshll.u32 s28, $0x1;
	[dreg:$0x2] =	wrdreg s6  }
0xb0: {  	[dreg:$0x3] =	wrdreg s8  }
0xb1: {  	[dreg:$0x4] =	wrdreg $0xC0  }
0xb2: {  	_ =	task [dreg:s10], $0x5FFFF  }
0xb3: {  	[dreg:$0x1] =	wrdreg $0xFFFFFFFF  }
0xb4: {  	[dreg:$0x0] =	wrdreg $0x60  }
0xb5: {  	[dreg:$0x2] =	wrdreg s16  }
0xb6: {  	[dreg:$0x3] =	wrdreg s24  }
0xb7: {  	[dreg:$0x4] =	wrdreg s4  }
0xb8: {  	[dreg:$0x5] =	wrdreg s15  }
0xb9: {  	[dreg:$0x6] =	wrdreg s17  }
0xba: {  	[dreg:$0x7] =	wrdreg $0x0  }
0xbb: {  	[dreg:$0x8] =	wrdreg $0x13C000  }
0xbc: {  	[dreg:$0x9] =	wrdreg $0x9  }
0xbd: {  	_ =	task.clear_ibuf [dreg:s10], $0xAFFFF;
	_ =	strace $0x90000049  }
0xbe: {  	s29 =	simm.s32 $0x9;
	_ =	strace $0x8000004B  }
0xbf: {  	_ =	swait.ge [sflag:s29], $0x1  }
0xc0: {  	[sflag:s29] =	ssyncadd.s32 $0xFFFFFFFF  }
0xc1: {  	_ =	strace $0x9000004B  }
0xc2: {  	_ =	sfence  }
0xc3: {  	s30 =	sld [smem:$0x0];
	_ =	sdelay $0x2  }
0xc4: {  	s31 =	sshll.u32 s1, $0xD;
	s1 =	sshrl.u32 s1, $0x2  }
0xc5: {  	s3 =	sand.u32 $0x4000, s31;
	s1 =	sadd.s32 s1, s30  }
0xc6: {  	s0 =	sor.u32 s3, s0;
	s1 =	sshll.u32 s1, $0x11  }
0xc7: {  	s0 =	sor.u32 s1, s0  }
0xc8: {  	s0 =	sadd.s32 $0x8F2B, s0  }
0xc9: {  	[sflag:s0] =	ssyncadd.remote.s32 $0x1  }
0xca: {  	_ =	sfence.sel $0xFFFF  }
0xcb: {  	[dreg:$0x0] =	wrdreg $0xFFFFFFFF;
	(pc) =	sbr.abs _section_cstart, $3  }
0xcc: {  	[dreg:$0x1] =	wrdreg $0xFFFFFFFF  }
0xcd: {  	_ =	task.clear_ibuf [dreg:s10], $0x2FFFF;
	_ =	strace $0x9FFFFFFF  }
0xce: {  	(tm) =	ssettm $0x7FFFFFFF  }
0xcf: {  	_ =	shalt  }
tec
execute0_lowered:
.L_overlay_start_1:
0x0: {  	(tag) =	ssettag $0x1  }
0x1: {  	s0 =	rddreg [dreg:$0x0]  }
0x2: {  	s1 =	rddreg [dreg:$0x1]  }
0x3: {  	s3 =	rddreg [dreg:$0x2];
	s2 =	srdreg.scid  }
0x4: {  	s10 =	rddreg [dreg:$0x3];
	s19 =	stileid.u32  }
0x5: {  	s4 =	rddreg [dreg:$0x5];
	s6 =	simm.s32 $0x0;
	s17 =	simm.s32 $0x1AC00  }
0x6: {  	s18 =	simm.s32 $0x1B000;
	s28 =	simm.s32 $0x1AF80;
	s29 =	simm.s32 $0x1B380  }
0x7: {  	s30 =	simm.s32 $0x0;
	s11 =	sand.u32 $0x1, s2;
	s2 =	rddreg [dreg:$0x4]  }
0x8: {  	[smem:$0x7FF] =	sst s6;
	s12 =	smul.u32 $0x13C00, s19;
	s22 =	sshll.u32 s19, $0xA  }
0x9: {  	s16 =	smul.u32 $0x4F000, s19;
	s25 =	sshll.u32 s19, $0xD;
	s31 =	sshll.u32 s19, $0x6  }
0xa: {  	s5 =	sshll.u32 s11, $0x4;
	s9 =	smul.u32 $0x13C000, s11;
	s21 =	ssub.s32 $0x2, s11  }
0xb: {  	s11 =	sshll.u32 s11, $0xE;
	s8 =	sor.u32 s19, s5;
	s5 =	rddreg [dreg:$0x6]  }
0xc: {  	_ =	strace $0x8000004A;
	s14 =	sshrl.u32 s21, $0x1;
	s24 =	sshrl.u32 s16, $0x2  }
0xd: {  	s19 =	sor.u32 $0x1C02, s31;
	s7 =	smul.u32 $0x500, s8;
	s20 =	sadd.s32 s12, s9  }
0xe: {  	s14 =	ssub.s32 s21, s14;
	s23 =	sshll.u32 s8, $0x7;
	s26 =	sadd.s32 s25, s5  }
0xf: {  	s25 =	simm.s32 $0x1AF00;
	s9 =	sadd.s32 s3, s23;
	s10 =	sadd.s32 s10, s23  }
0x10: {  	s3 =	sadd.s32 s24, s4;
	s21 =	sshrl.u32 s26, $0x3;
	s23 =	simm.s32 $0x1B400  }
0x11: {  	s24 =	simm.s32 $0x1;
	s13 =	sadd.s32 s7, s1;
	s7 =	sshrl.u32 s20, $0x3  }
0x12: {  	s26 =	simm.s32 $0x1B300;
	s20 =	sshrl.u32 s3, $0x3;
	s15 =	sadd.s32 s7, s1  }
0x13: {  	s1 =	sadd.s32 s22, s1;
	s7 =	sadd.s32 $0x3800, s13;
	s8 =	sadd.s32 $0xD800, s13  }
0x14: {  	s13 =	smax.u32 s14, $0x1;
	s22 =	simm.s32 $0x80;
	s1 =	sadd.s32 s11, s1  }
0x15: {  	s11 =	sadd.s32 $0x17800, s15;
	s15 =	simm.s32 $0x2;
	s12 =	sadd.s32 $0x6E800, s1  }
.LBB2_1:
0x16: {  	s1 =	simm.s32 $0x15C00  }
0x17: {  	[tilespmem:s1], [sflag:$0x2] =	stream.linear.gather [hbm4b:s7+s6], $0x2780, $0x38;
	[tilespmem:$0x1F400] =	vst v63  }
0x18: {  	_ =	swait.ge [sflag:s15], $0x2780  }
0x19: {  	[sflag:s15] =	ssyncset.done $0x0  }
0x1a: {  	s14 =	simm.s32 $0x18400;
	[sflag:s15] =	ssyncadd.s32 $0xFFFFD880  }
0x1b: {  	[tilespmem:s14], [sflag:$0x2] =	stream.linear.gather [hbm4b:s8+s6], $0x2780, $0x38;
	[tilespmem:$0x1F400] =	vst v63  }
0x1c: {  	_ =	swait.ge [sflag:s15], $0x2780  }
0x1d: {  	[sflag:s15] =	ssyncset.done $0x0  }
0x1e: {  	[sflag:s15] =	ssyncadd.s32 $0xFFFFD880  }
0x1f: {  	[tilespmem:s17], [sflag:$0x2] =	stream.linear.gather [hbm4b:s9+s6], $0x400, $0x38;
	[tilespmem:$0x1F400] =	vst v63  }
0x20: {  	_ =	swait.ge [sflag:s15], $0x400  }
0x21: {  	[sflag:s15] =	ssyncset.done $0x0  }
0x22: {  	[sflag:s15] =	ssyncadd.s32 $0xFFFFFC00  }
0x23: {  	[tilespmem:s18], [sflag:$0x2] =	stream.linear.gather [hbm4b:s10+s6], $0x400, $0x38;
	[tilespmem:$0x1F400] =	vst v63  }
0x24: {  	_ =	swait.ge [sflag:s15], $0x400  }
0x25: {  	[sflag:s15] =	ssyncset.done $0x0  }
0x26: {  	[sflag:s15] =	ssyncadd.s32 $0xFFFFFC00  }
0x27: {  	[spmem:s20], [sflag:s19] =	dma.local [hbm:s2], $0x2780  }
0x28: {  	_ =	swait.ge [sflag:s15], $0x2780  }
0x29: {  	[sflag:s15] =	ssyncset.done $0x0  }
0x2a: {  	[sflag:s15] =	ssyncadd.s32 $0xFFFFD880  }
0x2b: {  	[spmem:s21], [sflag:s19] =	dma.local [hbm:s2], $0x400  }
0x2c: {  	_ =	swait.ge [sflag:s15], $0x400  }
0x2d: {  	[sflag:s15] =	ssyncset.done $0x0  }
0x2e: {  	[sflag:s15] =	ssyncadd.s32 $0xFFFFFC00  }
0x2f: {  	s3 =	simm.s32 $0x15C00;
	[bflag:$0x0] =	sbarrier.arrive $0xFFFF  }
0x30: {  	[tilespmem:s23], [sflag:$0x1] =	stream.indirect.gather [hbm4b:s0+s22], $0x80, s3, s22, $0xb8;
	[tilespmem:$0x1F400] =	vst v63  }
0x31: {  	_ =	swait.ge [sflag:s24], $0x4000  }
0x32: {  	[sflag:s24] =	ssyncset.done $0x0  }
0x33: {  	s16 =	simm.s32 $0x18400;
	[sflag:s24] =	ssyncadd.s32 $0xFFFFC000  }
0x34: {  	[spmem:s4] =	stream.indirect.scatter.add.f32 [tilespmem:s23], [sflag:$0x2], $0x80, s16, s22, $0xb8;
	[tilespmem:$0x1F400] =	vst v63  }
0x35: {  	_ =	swait.ge [sflag:s15], $0x4000  }
0x36: {  	s31 =	simm.s32 $0x80;
	s3 =	simm.s32 $0x400;
	[sflag:s15] =	ssyncset.done $0x0  }
.LBB2_2:
0x37: {  	s1 =	sadd.s32 $0x15C00, s31  }
0x38: {  	[sflag:s15] =	ssyncadd.s32 $0xFFFFC000;
	s14 =	smov.u32 s3;
	s16 =	sadd.s32 $0x200, s3  }
0x39: {  	[tilespmem:s23], [sflag:$0x1] =	stream.indirect.gather [hbm4b:s0+s22], $0x80, s1, s22, $0xb8;
	[tilespmem:$0x1F400] =	vst v63  }
0x3a: {  	p0 =	sne.s32 s3, $0x9C00;
	_ =	swait.ge [sflag:s24], $0x4000  }
.Ltmp0:
0x3b: {  	[sflag:s24] =	ssyncset.done $0x0;
	(pc) =	sbr.rel @p0 .LBB2_2-.Ltmp0, $4  }
0x3c: {  	s1 =	sadd.s32 $0x18400, s31;
	[sflag:s24] =	ssyncadd.s32 $0xFFFFC000  }
0x3d: {  	[spmem:s4] =	stream.indirect.scatter.add.f32 [tilespmem:s23], [sflag:$0x2], $0x80, s1, s22, $0xb8;
	[tilespmem:$0x1F400] =	vst v63  }
0x3e: {  	_ =	swait.ge [sflag:s15], $0x4000  }
0x3f: {  	s31 =	sshra.s32 s14, $0x2;
	s3 =	smov.u32 s16;
	[sflag:s15] =	ssyncset.done $0x0  }
0x40: {  	s1 =	sadd.s32 $0x15C00, s31;
	[sflag:s15] =	ssyncadd.s32 $0xFFFFC000  }
0x41: {  	[tilespmem:s23], [sflag:$0x1] =	stream.indirect.gather [hbm4b:s0+s22], $0x80, s1, s22, $0xb8;
	[tilespmem:$0x1F400] =	vst v63  }
0x42: {  	_ =	swait.ge [sflag:s24], $0x4000  }
0x43: {  	[sflag:s24] =	ssyncset.done $0x0  }
0x44: {  	s14 =	sadd.s32 $0x18400, s31;
	[sflag:s24] =	ssyncadd.s32 $0xFFFFC000  }
0x45: {  	[spmem:s4] =	stream.indirect.scatter.add.f32 [tilespmem:s23], [sflag:$0x2], $0x80, s14, s22, $0xb8;
	[tilespmem:$0x1F400] =	vst v63  }
0x46: {  	_ =	swait.ge [sflag:s15], $0x4000  }
0x47: {  	[sflag:s15] =	ssyncset.done $0x0  }
0x48: {  	[sflag:s15] =	ssyncadd.s32 $0xFFFFC000  }
0x49: {  	[tilespmem:s23], [sflag:$0x1] =	stream.indirect.gather [hbm4b:s0+s22], $0x80, s17, s22, $0xb8;
	[tilespmem:$0x1F400] =	vst v63  }
0x4a: {  	_ =	swait.ge [sflag:s24], $0x4000  }
0x4b: {  	[sflag:s24] =	ssyncset.done $0x0  }
0x4c: {  	[sflag:s24] =	ssyncadd.s32 $0xFFFFC000  }
0x4d: {  	[spmem:s5] =	stream.indirect.scatter.add.f32 [tilespmem:s23], [sflag:$0x2], $0x80, s18, s22, $0xb8;
	[tilespmem:$0x1F400] =	vst v63  }
0x4e: {  	_ =	swait.ge [sflag:s15], $0x4000  }
0x4f: {  	[sflag:s15] =	ssyncset.done $0x0  }
0x50: {  	s16 =	simm.s32 $0x1AC80;
	[sflag:s15] =	ssyncadd.s32 $0xFFFFC000  }
0x51: {  	[tilespmem:s23], [sflag:$0x1] =	stream.indirect.gather [hbm4b:s0+s22], $0x80, s16, s22, $0xb8;
	[tilespmem:$0x1F400] =	vst v63  }
0x52: {  	_ =	swait.ge [sflag:s24], $0x4000  }
0x53: {  	[sflag:s24] =	ssyncset.done $0x0  }
0x54: {  	s31 =	simm.s32 $0x1B080;
	[sflag:s24] =	ssyncadd.s32 $0xFFFFC000  }
0x55: {  	[spmem:s5] =	stream.indirect.scatter.add.f32 [tilespmem:s23], [sflag:$0x2], $0x80, s31, s22, $0xb8;
	[tilespmem:$0x1F400] =	vst v63  }
0x56: {  	_ =	swait.ge [sflag:s15], $0x4000  }
0x57: {  	[sflag:s15] =	ssyncset.done $0x0  }
0x58: {  	s3 =	simm.s32 $0x1AD00;
	[sflag:s15] =	ssyncadd.s32 $0xFFFFC000  }
0x59: {  	[tilespmem:s23], [sflag:$0x1] =	stream.indirect.gather [hbm4b:s0+s22], $0x80, s3, s22, $0xb8;
	[tilespmem:$0x1F400] =	vst v63  }
0x5a: {  	_ =	swait.ge [sflag:s24], $0x4000  }
0x5b: {  	[sflag:s24] =	ssyncset.done $0x0  }
0x5c: {  	s14 =	simm.s32 $0x1B100;
	[sflag:s24] =	ssyncadd.s32 $0xFFFFC000  }
0x5d: {  	[spmem:s5] =	stream.indirect.scatter.add.f32 [tilespmem:s23], [sflag:$0x2], $0x80, s14, s22, $0xb8;
	[tilespmem:$0x1F400] =	vst v63  }
0x5e: {  	_ =	swait.ge [sflag:s15], $0x4000  }
0x5f: {  	[sflag:s15] =	ssyncset.done $0x0  }
0x60: {  	s16 =	simm.s32 $0x1AD80;
	[sflag:s15] =	ssyncadd.s32 $0xFFFFC000  }
0x61: {  	[tilespmem:s23], [sflag:$0x1] =	stream.indirect.gather [hbm4b:s0+s22], $0x80, s16, s22, $0xb8;
	[tilespmem:$0x1F400] =	vst v63  }
0x62: {  	_ =	swait.ge [sflag:s24], $0x4000  }
0x63: {  	[sflag:s24] =	ssyncset.done $0x0  }
0x64: {  	s31 =	simm.s32 $0x1B180;
	[sflag:s24] =	ssyncadd.s32 $0xFFFFC000  }
0x65: {  	[spmem:s5] =	stream.indirect.scatter.add.f32 [tilespmem:s23], [sflag:$0x2], $0x80, s31, s22, $0xb8;
	[tilespmem:$0x1F400] =	vst v63  }
0x66: {  	_ =	swait.ge [sflag:s15], $0x4000  }
0x67: {  	[sflag:s15] =	ssyncset.done $0x0  }
0x68: {  	s3 =	simm.s32 $0x1AE00;
	[sflag:s15] =	ssyncadd.s32 $0xFFFFC000  }
0x69: {  	[tilespmem:s23], [sflag:$0x1] =	stream.indirect.gather [hbm4b:s0+s22], $0x80, s3, s22, $0xb8;
	[tilespmem:$0x1F400] =	vst v63  }
0x6a: {  	_ =	swait.ge [sflag:s24], $0x4000  }
0x6b: {  	[sflag:s24] =	ssyncset.done $0x0  }
0x6c: {  	s14 =	simm.s32 $0x1B200;
	[sflag:s24] =	ssyncadd.s32 $0xFFFFC000  }
0x6d: {  	[spmem:s5] =	stream.indirect.scatter.add.f32 [tilespmem:s23], [sflag:$0x2], $0x80, s14, s22, $0xb8;
	[tilespmem:$0x1F400] =	vst v63  }
0x6e: {  	_ =	swait.ge [sflag:s15], $0x4000  }
0x6f: {  	[sflag:s15] =	ssyncset.done $0x0  }
0x70: {  	s16 =	simm.s32 $0x1AE80;
	[sflag:s15] =	ssyncadd.s32 $0xFFFFC000  }
0x71: {  	[tilespmem:s23], [sflag:$0x1] =	stream.indirect.gather [hbm4b:s0+s22], $0x80, s16, s22, $0xb8;
	[tilespmem:$0x1F400] =	vst v63  }
0x72: {  	_ =	swait.ge [sflag:s24], $0x4000  }
0x73: {  	[sflag:s24] =	ssyncset.done $0x0  }
0x74: {  	s31 =	simm.s32 $0x1B280;
	[sflag:s24] =	ssyncadd.s32 $0xFFFFC000  }
0x75: {  	[spmem:s5] =	stream.indirect.scatter.add.f32 [tilespmem:s23], [sflag:$0x2], $0x80, s31, s22, $0xb8;
	[tilespmem:$0x1F400] =	vst v63  }
0x76: {  	_ =	swait.ge [sflag:s15], $0x4000  }
0x77: {  	[sflag:s15] =	ssyncset.done $0x0  }
0x78: {  	[sflag:s15] =	ssyncadd.s32 $0xFFFFC000  }
0x79: {  	[tilespmem:s23], [sflag:$0x1] =	stream.indirect.gather [hbm4b:s0+s22], $0x80, s25, s22, $0xb8;
	[tilespmem:$0x1F400] =	vst v63  }
0x7a: {  	_ =	swait.ge [sflag:s24], $0x4000  }
0x7b: {  	[sflag:s24] =	ssyncset.done $0x0  }
0x7c: {  	[sflag:s24] =	ssyncadd.s32 $0xFFFFC000  }
0x7d: {  	[spmem:s5] =	stream.indirect.scatter.add.f32 [tilespmem:s23], [sflag:$0x2], $0x80, s26, s22, $0xb8;
	[tilespmem:$0x1F400] =	vst v63  }
0x7e: {  	_ =	swait.ge [sflag:s15], $0x4000  }
0x7f: {  	[sflag:s15] =	ssyncset.done $0x0  }
0x80: {  	[sflag:s15] =	ssyncadd.s32 $0xFFFFC000  }
0x81: {  	[tilespmem:s23], [sflag:$0x1] =	stream.indirect.gather [hbm4b:s0+s22], $0x80, s28, s22, $0xb8;
	[tilespmem:$0x1F400] =	vst v63  }
0x82: {  	_ =	swait.ge [sflag:s24], $0x4000  }
0x83: {  	[sflag:s24] =	ssyncset.done $0x0  }
0x84: {  	[sflag:s24] =	ssyncadd.s32 $0xFFFFC000  }
0x85: {  	[spmem:s5] =	stream.indirect.scatter.add.f32 [tilespmem:s23], [sflag:$0x2], $0x80, s29, s22, $0xb8;
	[tilespmem:$0x1F400] =	vst v63  }
0x86: {  	_ =	swait.ge [sflag:s15], $0x4000  }
0x87: {  	[sflag:s15] =	ssyncset.done $0x0  }
0x88: {  	[sflag:s15] =	ssyncadd.s32 $0xFFFFC000  }
0x89: {  	[bflag:$0x0] =	sbarrier.arrive $0xFFFF  }
0x8a: {  	[hbm:s11], [sflag:s19] =	dma.local [spmem:s20], $0x2780  }
0x8b: {  	s30 =	sadd.s32 $0x1, s30;
	_ =	swait.ge [sflag:s15], $0x2780  }
0x8c: {  	p0 =	sne.s32 s30, s13;
	[sflag:s15] =	ssyncset.done $0x0  }
.Ltmp1:
0x8d: {  	[sflag:s15] =	ssyncadd.s32 $0xFFFFD880;
	(pc) =	sbr.rel @p0 .LBB2_1-.Ltmp1, $4  }
0x8e: {  	[hbm:s12], [sflag:s19] =	dma.local [spmem:s21], $0x400  }
0x8f: {  	_ =	swait.ge [sflag:s15], $0x400  }
0x90: {  	[sflag:s15] =	ssyncset.done $0x0  }
0x91: {  	[sflag:s15] =	ssyncadd.s32 $0xFFFFFC00  }
0x92: {  	_ =	sfence.sel $0x180000  }
0x93: {  	[bflag:$0x0] =	sbarrier.arrive $0xFFFF  }
0x94: {  	_ =	strace $0x9000004A  }
0x95: {  	s0 =	stileid.u32;
	[bflag:$0x2] =	sbarrier.arrive $0xFFFF  }
0x96: {  	p0 =	sne.s32 s0, $0x0;
	s0 =	rddreg [dreg:$0x7]  }
0x97: {  	s0 =	sadd.s32 @!p0 $0x100000, s0  }
0x98: {  	[sflag:s0] =	ssyncadd.tile.s32 @!p0 $0x1;
	_ =	shalt  }
.Lfunc_end2:
_tile_overlayer_lowered:
.L_overlay_start_2:
0x99: {  	(tag) =	ssettag $0x2  }
0x9a: {  	s0 =	rddreg [dreg:$0x0];
	s2 =	stileid.u32  }
0x9b: {  	s1 =	rddreg [dreg:$0x1];
	p0 =	sne.s32 s2, $0x0  }
0x9c: {  	s3 =	rddreg [dreg:$0x2];
	[bflag:$0x3] =	sbarrier.arrive $0xFFFF;
	s2 =	simm.s32 @!p0 $0x1C02  }
0x9d: {  	[timem:s3], [sflag:s2] =	dma.local @!p0 [hbm:s0], s1  }
0x9e: {  	s0 =	simm.s32 @!p0 $0x2  }
0x9f: {  	_ =	swait.ge @!p0 [sflag:s0], s1  }
0xa0: {  	s1 =	ssub.s32 @!p0 $0x0, s1;
	[sflag:s0] =	ssyncset.done @!p0 $0x0  }
0xa1: {  	[sflag:s0] =	ssyncadd.s32 @!p0 s1  }
0xa2: {  	[bflag:$0x3] =	sbarrier.arrive $0xFFFF  }
0xa3: {  	_ =	shalt  }

// kernel: kernel.9.cloned.1.call-start
scs
__scs_entry_jumppad:
0x0: {  	(pc) =	sbr.rel $0x88, $3  }
0x1: {  	(tag) =	ssettag $0x0;
	lr =	simm.s32 $0x1  }
0x2: {  	[smem:$0x3F97] =	sst lr;
	_ =	strace $0xD0000000  }
0x3: {  	_ = 	snop  }
0x4: {  	_ = 	snop  }
0x5: {  	_ = 	snop  }
0x6: {  	_ = 	snop  }
0x7: {  	_ = 	snop  }
__scs_overlays_trampoline_lowered:
0x8: {  	[smem:$0x3FA6] =	sst s0  }
0x9: {  	[smem:$0x3FA7] =	sst s1  }
0xa: {  	[smem:$0x3FA8] =	sst s2  }
0xb: {  	[smem:$0x3FA9] =	sst s3  }
0xc: {  	[smem:$0x3FAA] =	sst s4  }
0xd: {  	[smem:$0x3FAB] =	sst s5  }
0xe: {  	[smem:$0x3FAC] =	sst s6  }
0xf: {  	[smem:$0x3FAD] =	sst s7  }
0x10: {  	[smem:$0x3FAE] =	sst s8  }
0x11: {  	[smem:$0x3FAF] =	sst s9;
	s0 =	simm.s32 @!p0 $0x0  }
0x12: {  	s1 =	sld [smem:$0x3F95];
	s0 =	simm.s32 @p0 $0x1  }
0x13: {  	[smem:$0x3FB0] =	sst s0;
	s0 =	simm.s32 @!p1 $0x0  }
0x14: {  	s2 =	sld [smem:$0x3F94];
	s0 =	simm.s32 @p1 $0x1  }
0x15: {  	[smem:$0x3FB1] =	sst s0;
	s0 =	simm.s32 @!p2 $0x0  }
0x16: {  	s3 =	sld [smem:$0x3FDB];
	s0 =	simm.s32 @p2 $0x1  }
0x17: {  	s4 =	simm.s32 $0x1BF5;
	[smem:$0x3FB3] =	sst s0  }
0x18: {  	s0 =	sld [smem:$0x3F96];
	_ =	swait.ge [sflag:s4], $0x0  }
0x19: {  	s7 =	sld [smem:$0x3F97]  }
0x1a: {  	s8 =	sadd.s32 $0xFFFFE003, lr  }
0x1b: {  	s9 =	sadd.s32 $0xFFFFFEF7, lr;
	s5 =	simm.s32 $0xFFFFFFFF;
	p2 =	slt.u32 s8, $0xFFFFF086  }
0x1c: {  	p1 =	slt.u32 s9, $0xF7A;
	s5 =	simm.s32 @!p2 $0x0  }
0x1d: {  	s5 =	simm.s32 @p1 $0x1;
	p0 =	seq.s32 s7, s2  }
0x1e: {  	s7 =	smul.u32 @!p0 $0xF7A, s2;
	p2 =	seq.s32 @!p0 s5, $0x0  }
0x1f: {  	s9 =	smul.u32 $0xF7A, s1;
	s8 =	simm.s32 @!p0 $0x1BF5;
	p2 =	por !p2, p0  }
0x20: {  	[sflag:s8] =	ssyncset.s32 @!p0 $0xFFFFF086;
	s6 =	sadd.s32 @!p0 s3, s7;
	s7 =	simm.s32 @!p0 $0x108  }
0x21: {  	s3 =	sadd.s32 s3, s9;
	s6 =	sadd.s32 @!p0 $0x88, s6;
	s7 =	simm.s32 @p2 $0x1082  }
0x22: {  	[simem:s7], [sflag:s8] =	dma.local @!p0 [hbm:s6], $0xF7A  }
0x23: {  	s9 =	sor.u32 $0xD0000000, s2;
	s6 =	simm.s32 $0x108;
	_ =	swait.ge @!p0 [sflag:s8], $0x0  }
0x24: {  	s3 =	sadd.s32 $0x88, s3;
	s6 =	simm.s32 @!p1 $0x1082;
	[sflag:s4] =	ssyncset.s32 $0xFFFFF086  }
0x25: {  	[simem:s6], [sflag:s4] =	dma.local [hbm:s3], $0xF7A  }
0x26: {  	[smem:$0x3F97] =	sst s1;
	(tag) =	ssettag s2;
	_ =	strace s9  }
0x27: {  	s1 =	sld [smem:$0x3FA7]  }
0x28: {  	s2 =	sld [smem:$0x3FA8]  }
0x29: {  	s4 =	sld [smem:$0x3FAA]  }
0x2a: {  	p0 =	seq.s32 s5, $0x0;
	s5 =	sld [smem:$0x3FAB]  }
0x2b: {  	s6 =	sld [smem:$0x3FAC]  }
0x2c: {  	s7 =	sld [smem:$0x3FAD]  }
0x2d: {  	s3 =	simm.s32 $0x108;
	s8 =	sld [smem:$0x3FAE]  }
0x2e: {  	s3 =	simm.s32 @!p0 $0x1082;
	s9 =	sld [smem:$0x3FAF]  }
0x2f: {  	lr =	sadd.s32 s0, s3;
	s0 =	sld [smem:$0x3FA6]  }
0x30: {  	s3 =	sld [smem:$0x3FA9]  }
0x31: {  	[smem:$0x3FB2] =	sst s10  }
0x32: {  	s10 =	sld [smem:$0x3FB0];
	_ =	sdelay $0x3  }
0x33: {  	p0 =	seq.s32 s10, $0x1;
	s10 =	sld [smem:$0x3FB2];
	_ =	sdelay $0x3  }
0x34: {  	[smem:$0x3FB2] =	sst s10  }
0x35: {  	s10 =	sld [smem:$0x3FB1];
	_ =	sdelay $0x3  }
0x36: {  	p1 =	seq.s32 s10, $0x1;
	s10 =	sld [smem:$0x3FB2];
	_ =	sdelay $0x3  }
0x37: {  	[smem:$0x3FB2] =	sst s10  }
0x38: {  	s10 =	sld [smem:$0x3FB3]  }
0x39: {  	_ = 	snop;
	(pc) =	sbr.ind lr, $3  }
0x3a: {  	_ = 	snop  }
0x3b: {  	_ = 	snop  }
0x3c: {  	p2 =	seq.s32 s10, $0x1;
	s10 =	sld [smem:$0x3FB2]  }
0x3d: {  	_ =	shalt  }
0x3e: {  	_ =	shalt  }
0x3f: {  	_ =	shalt  }
0x40: {  	_ =	shalt  }
0x41: {  	_ =	shalt  }
0x42: {  	_ =	shalt  }
0x43: {  	_ =	shalt  }
0x44: {  	_ =	shalt  }
0x45: {  	_ =	shalt  }
0x46: {  	_ =	shalt  }
0x47: {  	_ =	shalt  }
0x48: {  	_ =	shalt  }
0x49: {  	_ =	shalt  }
0x4a: {  	_ =	shalt  }
0x4b: {  	_ =	shalt  }
0x4c: {  	_ =	shalt  }
0x4d: {  	_ =	shalt  }
0x4e: {  	_ =	shalt  }
0x4f: {  	_ =	shalt  }
0x50: {  	_ =	shalt  }
0x51: {  	_ =	shalt  }
0x52: {  	_ =	shalt  }
0x53: {  	_ =	shalt  }
0x54: {  	_ =	shalt  }
0x55: {  	_ =	shalt  }
0x56: {  	_ =	shalt  }
0x57: {  	_ =	shalt  }
0x58: {  	_ =	shalt  }
0x59: {  	_ =	shalt  }
0x5a: {  	_ =	shalt  }
0x5b: {  	_ =	shalt  }
0x5c: {  	_ =	shalt  }
0x5d: {  	_ =	shalt  }
0x5e: {  	_ =	shalt  }
0x5f: {  	_ =	shalt  }
0x60: {  	_ =	shalt  }
0x61: {  	_ =	shalt  }
0x62: {  	_ =	shalt  }
0x63: {  	_ =	shalt  }
0x64: {  	_ =	shalt  }
0x65: {  	_ =	shalt  }
0x66: {  	_ =	shalt  }
0x67: {  	_ =	shalt  }
0x68: {  	_ =	shalt  }
0x69: {  	_ =	shalt  }
0x6a: {  	_ =	shalt  }
0x6b: {  	_ =	shalt  }
0x6c: {  	_ =	shalt  }
0x6d: {  	_ =	shalt  }
0x6e: {  	_ =	shalt  }
0x6f: {  	_ =	shalt  }
0x70: {  	_ =	shalt  }
0x71: {  	_ =	shalt  }
0x72: {  	_ =	shalt  }
0x73: {  	_ =	shalt  }
0x74: {  	_ =	shalt  }
0x75: {  	_ =	shalt  }
0x76: {  	_ =	shalt  }
0x77: {  	_ =	shalt  }
0x78: {  	_ =	shalt  }
0x79: {  	_ =	shalt  }
0x7a: {  	_ =	shalt  }
0x7b: {  	_ =	shalt  }
0x7c: {  	_ =	shalt  }
0x7d: {  	_ =	shalt  }
0x7e: {  	_ =	shalt  }
0x7f: {  	_ =	shalt  }
0x80: {  	_ =	shalt  }
0x81: {  	_ =	shalt  }
0x82: {  	_ =	shalt  }
0x83: {  	_ =	shalt  }
0x84: {  	_ =	shalt  }
0x85: {  	_ =	shalt  }
0x86: {  	_ =	shalt  }
0x87: {  	_ =	shalt  }
.Lfunc_end0:
.L_simem_size_0:
called_computation_lowered:
.L_overlay_start_0:
0x88: {  	s2 =	sld [smem:$0x3FD9]  }
0x89: {  	s3 =	sld [smem:$0x3FFE];
	_ =	sdelay $0x1  }
0x8a: {  	s1 =	srdreg.scid  }
0x8b: {  	s0 =	sand.u32 $0x1, s1  }
0x8c: {  	s14 =	sshll.u32 s0, $0xA;
	s2 =	sadd.s32 s3, s2  }
0x8d: {  	s2 =	sadd.s32 s2, s14  }
0x8e: {  	[smem:$0x3FBE] =	sst s2  }
0x8f: {  	_ = 	snop  }
0x90: {  	s2 =	sld [smem:$0x3FD0];
	_ =	sdelay $0x1  }
0x91: {  	s15 =	sld [smem:$0x3FC8]  }
0x92: {  	s5 =	simm.s32 $0xA;
	s6 =	simm.s32 $0x10;
	s4 =	sld [smem:$0x3FC7]  }
0x93: {  	[smem:s6], [sflag:s5] =	dma.local [hbm:s2], $0x1  }
0x94: {  	_ =	swait.eq [sflag:s5], $0x1  }
0x95: {  	[sflag:s5] =	ssyncset.done $0x0  }
0x96: {  	s16 =	sld [smem:$0x10];
	[sflag:s5] =	ssyncadd.s32 $0xFFFFFFFF  }
0x97: {  	s17 =	sld [smem:$0x11];
	(tm) =	ssettm $0x1  }
0x98: {  	s18 =	sld [smem:$0x3FFB];
	_ =	sdelay $0x3  }
0x99: {  	_ =	strace s18  }
0x9a: {  	s6 =	sld [smem:$0x3FFC];
	_ =	sdelay $0x3  }
0x9b: {  	_ =	strace s6  }
0x9c: {  	s6 =	sld [smem:$0x3FFD];
	_ =	sdelay $0x3  }
0x9d: {  	_ =	strace s6  }
0x9e: {  	_ =	strace $0x8FFFFFFF  }
0x9f: {  	s19 =	sld [smem:$0x3FDB];
	_ =	sdelay $0x1  }
0xa0: {  	s7 =	simm.s32 $_scs_section_size  }
0xa1: {  	s8 =	simm.s32 $_size__tile_overlayer_lowered;
	s9 =	simm.s32 $_tile_overlayer_lowered  }
0xa2: {  	s22 =	simm.s32 $0x1BFF;
	s21 =	sshll.u32 s9, $0x1;
	s6 =	sadd.s32 s7, s19  }
0xa3: {  	s10 =	simm.s32 $0x0;
	s20 =	sshll.u32 s8, $0x1;
	s8 =	sadd.s32 s21, s6  }
0xa4: {  	[timem:s10], [sflag:s22] =	dma.local [hbm:s8], s20  }
0xa5: {  	_ =	swait.ge [sflag:s22], s20  }
0xa6: {  	s7 =	ssub.s32 $0x0, s20;
	[sflag:s22] =	ssyncset.done $0x0  }
0xa7: {  	[sflag:s22] =	ssyncadd.s32 s7;
	_ =	sdelay $0x1  }
0xa8: {  	s23 =	simm.s32 $0x1B8B  }
0xa9: {  	_ =	swait.ge [sflag:s23], $0x1  }
0xaa: {  	[sflag:s23] =	ssyncset.done $0x0  }
0xab: {  	s25 =	simm.s32 $0x1B8E;
	s24 =	sld [smem:$0x3FFE];
	[sflag:s23] =	ssyncadd.s32 $0xFFFFFFFF  }
0xac: {  	s26 =	simm.s32 $execute0_lowered;
	[smem:$0x3FD2] =	sst s25  }
0xad: {  	s8 =	sshll.u32 s26, $0x1;
	_ =	strace $0x80000046;
	[dreg:$0x1] =	wrdreg $0xFFFFFFFF  }
0xae: {  	s28 =	simm.s32 $_size_execute0_lowered;
	s6 =	sadd.s32 s6, s8;
	[dreg:$0x0] =	wrdreg $0x0  }
0xaf: {  	s8 =	sshll.u32 s28, $0x1;
	[dreg:$0x2] =	wrdreg s6  }
0xb0: {  	[dreg:$0x3] =	wrdreg s8  }
0xb1: {  	[dreg:$0x4] =	wrdreg $0xC0  }
0xb2: {  	_ =	task [dreg:s10], $0x5FFFF  }
0xb3: {  	[dreg:$0x1] =	wrdreg $0xFFFFFFFF  }
0xb4: {  	[dreg:$0x0] =	wrdreg $0x60  }
0xb5: {  	[dreg:$0x2] =	wrdreg s16  }
0xb6: {  	[dreg:$0x3] =	wrdreg s24  }
0xb7: {  	[dreg:$0x4] =	wrdreg s4  }
0xb8: {  	[dreg:$0x5] =	wrdreg s15  }
0xb9: {  	[dreg:$0x6] =	wrdreg s17  }
0xba: {  	[dreg:$0x7] =	wrdreg $0x0  }
0xbb: {  	[dreg:$0x8] =	wrdreg $0x13C000  }
0xbc: {  	[dreg:$0x9] =	wrdreg $0x9  }
0xbd: {  	_ =	task.clear_ibuf [dreg:s10], $0xAFFFF;
	_ =	strace $0x90000046  }
0xbe: {  	s29 =	simm.s32 $0x9;
	_ =	strace $0x80000048  }
0xbf: {  	_ =	swait.ge [sflag:s29], $0x1  }
0xc0: {  	[sflag:s29] =	ssyncadd.s32 $0xFFFFFFFF  }
0xc1: {  	_ =	strace $0x90000048  }
0xc2: {  	_ =	sfence  }
0xc3: {  	s30 =	sld [smem:$0x0];
	_ =	sdelay $0x2  }
0xc4: {  	s31 =	sshll.u32 s1, $0xD;
	s1 =	sshrl.u32 s1, $0x2  }
0xc5: {  	s3 =	sand.u32 $0x4000, s31;
	s1 =	sadd.s32 s1, s30  }
0xc6: {  	s0 =	sor.u32 s3, s0;
	s1 =	sshll.u32 s1, $0x11  }
0xc7: {  	s0 =	sor.u32 s1, s0  }
0xc8: {  	s0 =	sadd.s32 $0x8F2B, s0  }
0xc9: {  	[sflag:s0] =	ssyncadd.remote.s32 $0x1  }
0xca: {  	_ =	sfence.sel $0xFFFF  }
0xcb: {  	[dreg:$0x0] =	wrdreg $0xFFFFFFFF;
	(pc) =	sbr.abs _section_cstart, $3  }
0xcc: {  	[dreg:$0x1] =	wrdreg $0xFFFFFFFF  }
0xcd: {  	_ =	task.clear_ibuf [dreg:s10], $0x2FFFF;
	_ =	strace $0x9FFFFFFF  }
0xce: {  	(tm) =	ssettm $0x7FFFFFFF  }
0xcf: {  	_ =	shalt  }
tec
execute0_lowered:
.L_overlay_start_1:
0x0: {  	(tag) =	ssettag $0x1  }
0x1: {  	s0 =	rddreg [dreg:$0x0]  }
0x2: {  	s1 =	rddreg [dreg:$0x1]  }
0x3: {  	s3 =	rddreg [dreg:$0x2];
	s2 =	srdreg.scid  }
0x4: {  	s10 =	rddreg [dreg:$0x3];
	s19 =	stileid.u32  }
0x5: {  	s4 =	rddreg [dreg:$0x5];
	s6 =	simm.s32 $0x0;
	s17 =	simm.s32 $0x1AC00  }
0x6: {  	s18 =	simm.s32 $0x1B000;
	s28 =	simm.s32 $0x1AF80;
	s29 =	simm.s32 $0x1B380  }
0x7: {  	s30 =	simm.s32 $0x0;
	s11 =	sand.u32 $0x1, s2;
	s2 =	rddreg [dreg:$0x4]  }
0x8: {  	[smem:$0x7FF] =	sst s6;
	s12 =	smul.u32 $0x13C00, s19;
	s22 =	sshll.u32 s19, $0xA  }
0x9: {  	s16 =	smul.u32 $0x4F000, s19;
	s25 =	sshll.u32 s19, $0xD;
	s31 =	sshll.u32 s19, $0x6  }
0xa: {  	s5 =	sshll.u32 s11, $0x4;
	s9 =	smul.u32 $0x13C000, s11;
	s21 =	ssub.s32 $0x2, s11  }
0xb: {  	s11 =	sshll.u32 s11, $0xE;
	s8 =	sor.u32 s19, s5;
	s5 =	rddreg [dreg:$0x6]  }
0xc: {  	_ =	strace $0x80000047;
	s14 =	sshrl.u32 s21, $0x1;
	s24 =	sshrl.u32 s16, $0x2  }
0xd: {  	s19 =	sor.u32 $0x1C02, s31;
	s7 =	smul.u32 $0x500, s8;
	s20 =	sadd.s32 s12, s9  }
0xe: {  	s14 =	ssub.s32 s21, s14;
	s23 =	sshll.u32 s8, $0x7;
	s26 =	sadd.s32 s25, s5  }
0xf: {  	s25 =	simm.s32 $0x1AF00;
	s9 =	sadd.s32 s3, s23;
	s10 =	sadd.s32 s10, s23  }
0x10: {  	s3 =	sadd.s32 s24, s4;
	s21 =	sshrl.u32 s26, $0x3;
	s23 =	simm.s32 $0x1B400  }
0x11: {  	s24 =	simm.s32 $0x1;
	s13 =	sadd.s32 s7, s1;
	s7 =	sshrl.u32 s20, $0x3  }
0x12: {  	s26 =	simm.s32 $0x1B300;
	s20 =	sshrl.u32 s3, $0x3;
	s15 =	sadd.s32 s7, s1  }
0x13: {  	s1 =	sadd.s32 s22, s1;
	s7 =	sadd.s32 $0x3800, s13;
	s8 =	sadd.s32 $0xD800, s13  }
0x14: {  	s13 =	smax.u32 s14, $0x1;
	s22 =	simm.s32 $0x80;
	s1 =	sadd.s32 s11, s1  }
0x15: {  	s11 =	sadd.s32 $0x17800, s15;
	s15 =	simm.s32 $0x2;
	s12 =	sadd.s32 $0x66800, s1  }
.LBB2_1:
0x16: {  	s1 =	simm.s32 $0x15C00  }
0x17: {  	[tilespmem:s1], [sflag:$0x2] =	stream.linear.gather [hbm4b:s7+s6], $0x2780, $0x38;
	[tilespmem:$0x1F400] =	vst v63  }
0x18: {  	_ =	swait.ge [sflag:s15], $0x2780  }
0x19: {  	[sflag:s15] =	ssyncset.done $0x0  }
0x1a: {  	s14 =	simm.s32 $0x18400;
	[sflag:s15] =	ssyncadd.s32 $0xFFFFD880  }
0x1b: {  	[tilespmem:s14], [sflag:$0x2] =	stream.linear.gather [hbm4b:s8+s6], $0x2780, $0x38;
	[tilespmem:$0x1F400] =	vst v63  }
0x1c: {  	_ =	swait.ge [sflag:s15], $0x2780  }
0x1d: {  	[sflag:s15] =	ssyncset.done $0x0  }
0x1e: {  	[sflag:s15] =	ssyncadd.s32 $0xFFFFD880  }
0x1f: {  	[tilespmem:s17], [sflag:$0x2] =	stream.linear.gather [hbm4b:s9+s6], $0x400, $0x38;
	[tilespmem:$0x1F400] =	vst v63  }
0x20: {  	_ =	swait.ge [sflag:s15], $0x400  }
0x21: {  	[sflag:s15] =	ssyncset.done $0x0  }
0x22: {  	[sflag:s15] =	ssyncadd.s32 $0xFFFFFC00  }
0x23: {  	[tilespmem:s18], [sflag:$0x2] =	stream.linear.gather [hbm4b:s10+s6], $0x400, $0x38;
	[tilespmem:$0x1F400] =	vst v63  }
0x24: {  	_ =	swait.ge [sflag:s15], $0x400  }
0x25: {  	[sflag:s15] =	ssyncset.done $0x0  }
0x26: {  	[sflag:s15] =	ssyncadd.s32 $0xFFFFFC00  }
0x27: {  	[spmem:s20], [sflag:s19] =	dma.local [hbm:s2], $0x2780  }
0x28: {  	_ =	swait.ge [sflag:s15], $0x2780  }
0x29: {  	[sflag:s15] =	ssyncset.done $0x0  }
0x2a: {  	[sflag:s15] =	ssyncadd.s32 $0xFFFFD880  }
0x2b: {  	[spmem:s21], [sflag:s19] =	dma.local [hbm:s2], $0x400  }
0x2c: {  	_ =	swait.ge [sflag:s15], $0x400  }
0x2d: {  	[sflag:s15] =	ssyncset.done $0x0  }
0x2e: {  	[sflag:s15] =	ssyncadd.s32 $0xFFFFFC00  }
0x2f: {  	s3 =	simm.s32 $0x15C00;
	[bflag:$0x0] =	sbarrier.arrive $0xFFFF  }
0x30: {  	[tilespmem:s23], [sflag:$0x1] =	stream.indirect.gather [hbm4b:s0+s22], $0x80, s3, s22, $0xb8;
	[tilespmem:$0x1F400] =	vst v63  }
0x31: {  	_ =	swait.ge [sflag:s24], $0x4000  }
0x32: {  	[sflag:s24] =	ssyncset.done $0x0  }
0x33: {  	s16 =	simm.s32 $0x18400;
	[sflag:s24] =	ssyncadd.s32 $0xFFFFC000  }
0x34: {  	[spmem:s4] =	stream.indirect.scatter.add.f32 [tilespmem:s23], [sflag:$0x2], $0x80, s16, s22, $0xb8;
	[tilespmem:$0x1F400] =	vst v63  }
0x35: {  	_ =	swait.ge [sflag:s15], $0x4000  }
0x36: {  	s31 =	simm.s32 $0x80;
	s3 =	simm.s32 $0x400;
	[sflag:s15] =	ssyncset.done $0x0  }
.LBB2_2:
0x37: {  	s1 =	sadd.s32 $0x15C00, s31  }
0x38: {  	[sflag:s15] =	ssyncadd.s32 $0xFFFFC000;
	s14 =	smov.u32 s3;
	s16 =	sadd.s32 $0x200, s3  }
0x39: {  	[tilespmem:s23], [sflag:$0x1] =	stream.indirect.gather [hbm4b:s0+s22], $0x80, s1, s22, $0xb8;
	[tilespmem:$0x1F400] =	vst v63  }
0x3a: {  	p0 =	sne.s32 s3, $0x9C00;
	_ =	swait.ge [sflag:s24], $0x4000  }
.Ltmp0:
0x3b: {  	[sflag:s24] =	ssyncset.done $0x0;
	(pc) =	sbr.rel @p0 .LBB2_2-.Ltmp0, $4  }
0x3c: {  	s1 =	sadd.s32 $0x18400, s31;
	[sflag:s24] =	ssyncadd.s32 $0xFFFFC000  }
0x3d: {  	[spmem:s4] =	stream.indirect.scatter.add.f32 [tilespmem:s23], [sflag:$0x2], $0x80, s1, s22, $0xb8;
	[tilespmem:$0x1F400] =	vst v63  }
0x3e: {  	_ =	swait.ge [sflag:s15], $0x4000  }
0x3f: {  	s31 =	sshra.s32 s14, $0x2;
	s3 =	smov.u32 s16;
	[sflag:s15] =	ssyncset.done $0x0  }
0x40: {  	s1 =	sadd.s32 $0x15C00, s31;
	[sflag:s15] =	ssyncadd.s32 $0xFFFFC000  }
0x41: {  	[tilespmem:s23], [sflag:$0x1] =	stream.indirect.gather [hbm4b:s0+s22], $0x80, s1, s22, $0xb8;
	[tilespmem:$0x1F400] =	vst v63  }
0x42: {  	_ =	swait.ge [sflag:s24], $0x4000  }
0x43: {  	[sflag:s24] =	ssyncset.done $0x0  }
0x44: {  	s14 =	sadd.s32 $0x18400, s31;
	[sflag:s24] =	ssyncadd.s32 $0xFFFFC000  }
0x45: {  	[spmem:s4] =	stream.indirect.scatter.add.f32 [tilespmem:s23], [sflag:$0x2], $0x80, s14, s22, $0xb8;
	[tilespmem:$0x1F400] =	vst v63  }
0x46: {  	_ =	swait.ge [sflag:s15], $0x4000  }
0x47: {  	[sflag:s15] =	ssyncset.done $0x0  }
0x48: {  	[sflag:s15] =	ssyncadd.s32 $0xFFFFC000  }
0x49: {  	[tilespmem:s23], [sflag:$0x1] =	stream.indirect.gather [hbm4b:s0+s22], $0x80, s17, s22, $0xb8;
	[tilespmem:$0x1F400] =	vst v63  }
0x4a: {  	_ =	swait.ge [sflag:s24], $0x4000  }
0x4b: {  	[sflag:s24] =	ssyncset.done $0x0  }
0x4c: {  	[sflag:s24] =	ssyncadd.s32 $0xFFFFC000  }
0x4d: {  	[spmem:s5] =	stream.indirect.scatter.add.f32 [tilespmem:s23], [sflag:$0x2], $0x80, s18, s22, $0xb8;
	[tilespmem:$0x1F400] =	vst v63  }
0x4e: {  	_ =	swait.ge [sflag:s15], $0x4000  }
0x4f: {  	[sflag:s15] =	ssyncset.done $0x0  }
0x50: {  	s16 =	simm.s32 $0x1AC80;
	[sflag:s15] =	ssyncadd.s32 $0xFFFFC000  }
0x51: {  	[tilespmem:s23], [sflag:$0x1] =	stream.indirect.gather [hbm4b:s0+s22], $0x80, s16, s22, $0xb8;
	[tilespmem:$0x1F400] =	vst v63  }
0x52: {  	_ =	swait.ge [sflag:s24], $0x4000  }
0x53: {  	[sflag:s24] =	ssyncset.done $0x0  }
0x54: {  	s31 =	simm.s32 $0x1B080;
	[sflag:s24] =	ssyncadd.s32 $0xFFFFC000  }
0x55: {  	[spmem:s5] =	stream.indirect.scatter.add.f32 [tilespmem:s23], [sflag:$0x2], $0x80, s31, s22, $0xb8;
	[tilespmem:$0x1F400] =	vst v63  }
0x56: {  	_ =	swait.ge [sflag:s15], $0x4000  }
0x57: {  	[sflag:s15] =	ssyncset.done $0x0  }
0x58: {  	s3 =	simm.s32 $0x1AD00;
	[sflag:s15] =	ssyncadd.s32 $0xFFFFC000  }
0x59: {  	[tilespmem:s23], [sflag:$0x1] =	stream.indirect.gather [hbm4b:s0+s22], $0x80, s3, s22, $0xb8;
	[tilespmem:$0x1F400] =	vst v63  }
0x5a: {  	_ =	swait.ge [sflag:s24], $0x4000  }
0x5b: {  	[sflag:s24] =	ssyncset.done $0x0  }
0x5c: {  	s14 =	simm.s32 $0x1B100;
	[sflag:s24] =	ssyncadd.s32 $0xFFFFC000  }
0x5d: {  	[spmem:s5] =	stream.indirect.scatter.add.f32 [tilespmem:s23], [sflag:$0x2], $0x80, s14, s22, $0xb8;
	[tilespmem:$0x1F400] =	vst v63  }
0x5e: {  	_ =	swait.ge [sflag:s15], $0x4000  }
0x5f: {  	[sflag:s15] =	ssyncset.done $0x0  }
0x60: {  	s16 =	simm.s32 $0x1AD80;
	[sflag:s15] =	ssyncadd.s32 $0xFFFFC000  }
0x61: {  	[tilespmem:s23], [sflag:$0x1] =	stream.indirect.gather [hbm4b:s0+s22], $0x80, s16, s22, $0xb8;
	[tilespmem:$0x1F400] =	vst v63  }
0x62: {  	_ =	swait.ge [sflag:s24], $0x4000  }
0x63: {  	[sflag:s24] =	ssyncset.done $0x0  }
0x64: {  	s31 =	simm.s32 $0x1B180;
	[sflag:s24] =	ssyncadd.s32 $0xFFFFC000  }
0x65: {  	[spmem:s5] =	stream.indirect.scatter.add.f32 [tilespmem:s23], [sflag:$0x2], $0x80, s31, s22, $0xb8;
	[tilespmem:$0x1F400] =	vst v63  }
0x66: {  	_ =	swait.ge [sflag:s15], $0x4000  }
0x67: {  	[sflag:s15] =	ssyncset.done $0x0  }
0x68: {  	s3 =	simm.s32 $0x1AE00;
	[sflag:s15] =	ssyncadd.s32 $0xFFFFC000  }
0x69: {  	[tilespmem:s23], [sflag:$0x1] =	stream.indirect.gather [hbm4b:s0+s22], $0x80, s3, s22, $0xb8;
	[tilespmem:$0x1F400] =	vst v63  }
0x6a: {  	_ =	swait.ge [sflag:s24], $0x4000  }
0x6b: {  	[sflag:s24] =	ssyncset.done $0x0  }
0x6c: {  	s14 =	simm.s32 $0x1B200;
	[sflag:s24] =	ssyncadd.s32 $0xFFFFC000  }
0x6d: {  	[spmem:s5] =	stream.indirect.scatter.add.f32 [tilespmem:s23], [sflag:$0x2], $0x80, s14, s22, $0xb8;
	[tilespmem:$0x1F400] =	vst v63  }
0x6e: {  	_ =	swait.ge [sflag:s15], $0x4000  }
0x6f: {  	[sflag:s15] =	ssyncset.done $0x0  }
0x70: {  	s16 =	simm.s32 $0x1AE80;
	[sflag:s15] =	ssyncadd.s32 $0xFFFFC000  }
0x71: {  	[tilespmem:s23], [sflag:$0x1] =	stream.indirect.gather [hbm4b:s0+s22], $0x80, s16, s22, $0xb8;
	[tilespmem:$0x1F400] =	vst v63  }
0x72: {  	_ =	swait.ge [sflag:s24], $0x4000  }
0x73: {  	[sflag:s24] =	ssyncset.done $0x0  }
0x74: {  	s31 =	simm.s32 $0x1B280;
	[sflag:s24] =	ssyncadd.s32 $0xFFFFC000  }
0x75: {  	[spmem:s5] =	stream.indirect.scatter.add.f32 [tilespmem:s23], [sflag:$0x2], $0x80, s31, s22, $0xb8;
	[tilespmem:$0x1F400] =	vst v63  }
0x76: {  	_ =	swait.ge [sflag:s15], $0x4000  }
0x77: {  	[sflag:s15] =	ssyncset.done $0x0  }
0x78: {  	[sflag:s15] =	ssyncadd.s32 $0xFFFFC000  }
0x79: {  	[tilespmem:s23], [sflag:$0x1] =	stream.indirect.gather [hbm4b:s0+s22], $0x80, s25, s22, $0xb8;
	[tilespmem:$0x1F400] =	vst v63  }
0x7a: {  	_ =	swait.ge [sflag:s24], $0x4000  }
0x7b: {  	[sflag:s24] =	ssyncset.done $0x0  }
0x7c: {  	[sflag:s24] =	ssyncadd.s32 $0xFFFFC000  }
0x7d: {  	[spmem:s5] =	stream.indirect.scatter.add.f32 [tilespmem:s23], [sflag:$0x2], $0x80, s26, s22, $0xb8;
	[tilespmem:$0x1F400] =	vst v63  }
0x7e: {  	_ =	swait.ge [sflag:s15], $0x4000  }
0x7f: {  	[sflag:s15] =	ssyncset.done $0x0  }
0x80: {  	[sflag:s15] =	ssyncadd.s32 $0xFFFFC000  }
0x81: {  	[tilespmem:s23], [sflag:$0x1] =	stream.indirect.gather [hbm4b:s0+s22], $0x80, s28, s22, $0xb8;
	[tilespmem:$0x1F400] =	vst v63  }
0x82: {  	_ =	swait.ge [sflag:s24], $0x4000  }
0x83: {  	[sflag:s24] =	ssyncset.done $0x0  }
0x84: {  	[sflag:s24] =	ssyncadd.s32 $0xFFFFC000  }
0x85: {  	[spmem:s5] =	stream.indirect.scatter.add.f32 [tilespmem:s23], [sflag:$0x2], $0x80, s29, s22, $0xb8;
	[tilespmem:$0x1F400] =	vst v63  }
0x86: {  	_ =	swait.ge [sflag:s15], $0x4000  }
0x87: {  	[sflag:s15] =	ssyncset.done $0x0  }
0x88: {  	[sflag:s15] =	ssyncadd.s32 $0xFFFFC000  }
0x89: {  	[bflag:$0x0] =	sbarrier.arrive $0xFFFF  }
0x8a: {  	[hbm:s11], [sflag:s19] =	dma.local [spmem:s20], $0x2780  }
0x8b: {  	s30 =	sadd.s32 $0x1, s30;
	_ =	swait.ge [sflag:s15], $0x2780  }
0x8c: {  	p0 =	sne.s32 s30, s13;
	[sflag:s15] =	ssyncset.done $0x0  }
.Ltmp1:
0x8d: {  	[sflag:s15] =	ssyncadd.s32 $0xFFFFD880;
	(pc) =	sbr.rel @p0 .LBB2_1-.Ltmp1, $4  }
0x8e: {  	[hbm:s12], [sflag:s19] =	dma.local [spmem:s21], $0x400  }
0x8f: {  	_ =	swait.ge [sflag:s15], $0x400  }
0x90: {  	[sflag:s15] =	ssyncset.done $0x0  }
0x91: {  	[sflag:s15] =	ssyncadd.s32 $0xFFFFFC00  }
0x92: {  	_ =	sfence.sel $0x180000  }
0x93: {  	[bflag:$0x0] =	sbarrier.arrive $0xFFFF  }
0x94: {  	_ =	strace $0x90000047  }
0x95: {  	s0 =	stileid.u32;
	[bflag:$0x2] =	sbarrier.arrive $0xFFFF  }
0x96: {  	p0 =	sne.s32 s0, $0x0;
	s0 =	rddreg [dreg:$0x7]  }
0x97: {  	s0 =	sadd.s32 @!p0 $0x100000, s0  }
0x98: {  	[sflag:s0] =	ssyncadd.tile.s32 @!p0 $0x1;
	_ =	shalt  }
.Lfunc_end2:
_tile_overlayer_lowered:
.L_overlay_start_2:
0x99: {  	(tag) =	ssettag $0x2  }
0x9a: {  	s0 =	rddreg [dreg:$0x0];
	s2 =	stileid.u32  }
0x9b: {  	s1 =	rddreg [dreg:$0x1];
	p0 =	sne.s32 s2, $0x0  }
0x9c: {  	s3 =	rddreg [dreg:$0x2];
	[bflag:$0x3] =	sbarrier.arrive $0xFFFF;
	s2 =	simm.s32 @!p0 $0x1C02  }
0x9d: {  	[timem:s3], [sflag:s2] =	dma.local @!p0 [hbm:s0], s1  }
0x9e: {  	s0 =	simm.s32 @!p0 $0x2  }
0x9f: {  	_ =	swait.ge @!p0 [sflag:s0], s1  }
0xa0: {  	s1 =	ssub.s32 @!p0 $0x0, s1;
	[sflag:s0] =	ssyncset.done @!p0 $0x0  }
0xa1: {  	[sflag:s0] =	ssyncadd.s32 @!p0 s1  }
0xa2: {  	[bflag:$0x3] =	sbarrier.arrive $0xFFFF  }
0xa3: {  	_ =	shalt  }

</sc_bundles>
